<compile_context>
chip_gen: v7x
topology: tpu7x:2x2x1
jax: 0.10.2.dev20260603
libtpu: 0.0.44.dev20260713+nightly
codegen_flags: <defaults>
</compile_context>

<pallas_src>
import functools

import jax
import jax.numpy as jnp
from jax import lax
from jax.experimental import pallas as pl
from jax.experimental.pallas import tpu as pltpu
from jax.experimental.pallas import tpu_sc as plsc

N0, N1, N2 = 10000, 5000, 1000
D_IN, D_H, D_OUT = 128, 128, 47
E0, E1 = 320000, 160000

NC, NS = 2, 16
NW = NC * NS

B_DST0, B_SRC1, B_DST1 = 5000, 10000, 11000
NB = 12032
DUMMY_BIN = 12000

T0 = 5008
T1 = 1024
OUTR = 1024

_mesh = plsc.VectorSubcoreMesh(core_axis_name="c", subcore_axis_name="s")

HCH = 235
NCH1 = 40
A1N = T1 * T1


@functools.partial(
    pl.kernel,
    out_type=[
        jax.ShapeDtypeStruct((NC * NB,), jnp.float32),
        jax.ShapeDtypeStruct((NC * A1N,), jnp.float32),
    ],
    mesh=_mesh,
    scratch_types=[
        pltpu.VMEM((HCH, 128), jnp.int32),
        pltpu.VMEM((NCH1, 128), jnp.int32),
        pltpu.VMEM((NCH1, 128), jnp.int32),
        pltpu.VMEM((NCH1, 128), jnp.int32),
        pltpu.VMEM((752,), jnp.float32),
        pltpu.VMEM((128,), jnp.float32),
        pltpu.VMEM((16384,), jnp.float32),
        pltpu.VMEM_SHARED((NB,), jnp.float32),
        pltpu.VMEM_SHARED((A1N,), jnp.float32),
    ],
)
def _hist_kernel(hidx_hbm, s1_hbm, d1_hbm, out_hbm, outa_hbm,
                 idx_v, s1_v, d1_v, f1_v, buf_v, ones_v, wbuf_v, h_sh, a_sh):
    c = lax.axis_index("c")
    s = lax.axis_index("s")
    w = s * NC + c

    @pl.loop(0, 752, step=16)
    def _(i):
        buf_v[pl.ds(i, 16)] = jnp.zeros((16,), jnp.float32)

    @pl.loop(0, 128, step=16)
    def _(i):
        ones_v[pl.ds(i, 16)] = jnp.ones((16,), jnp.float32)

    @pl.loop(0, 16384, step=16)
    def _(i):
        wbuf_v[pl.ds(i, 16)] = jnp.zeros((16,), jnp.float32)

    pltpu.sync_copy(buf_v, h_sh.at[pl.ds(s * 752, 752)])
    apt = A1N // NS
    @pl.loop(0, apt, step=16384)
    def _(o):
        pltpu.sync_copy(wbuf_v, a_sh.at[pl.ds(s * apt + o, 16384)])
    plsc.subcore_barrier()

    pltpu.sync_copy(hidx_hbm.at[w], idx_v)

    @pl.loop(0, HCH)
    def _(j):
        pltpu.sync_copy(ones_v, h_sh.at[idx_v.at[j]], add=True)

    pltpu.sync_copy(s1_hbm.at[w], s1_v)
    pltpu.sync_copy(d1_hbm.at[w], d1_v)

    @pl.loop(0, NCH1)
    def _(j):
        @pl.loop(0, 128, step=16)
        def _(i):
            f1_v[j, pl.ds(i, 16)] = (d1_v[j, pl.ds(i, 16)] * T1
                                     + s1_v[j, pl.ds(i, 16)])

    @pl.loop(0, NCH1)
    def _(j):
        pltpu.sync_copy(ones_v, a_sh.at[f1_v.at[j]], add=True)

    plsc.subcore_barrier()
    pltpu.sync_copy(h_sh.at[pl.ds(s * 752, 752)], buf_v)
    pltpu.sync_copy(buf_v, out_hbm.at[pl.ds(c * NB + s * 752, 752)])

    @pl.loop(0, apt, step=16384)
    def _(o):
        pltpu.sync_copy(a_sh.at[pl.ds(s * apt + o, 16384)], wbuf_v)
        pltpu.sync_copy(wbuf_v, outa_hbm.at[pl.ds(c * A1N + s * apt + o, 16384)])


def _make_edge_kernel(nch, arows, orows, d, nbuf=2):
    nring = 2 * nbuf
    assert nch % nring == 0
    zr = arows // NS
    zchunks = []
    off = 0
    while off < zr:
        n = min(128, zr - off)
        zchunks.append((off, n))
        off += n
    rpt = orows // NS

    @functools.partial(
        pl.kernel,
        out_type=jax.ShapeDtypeStruct((NC * orows, d), jnp.float32),
        mesh=_mesh,
        scratch_types=[
            pltpu.VMEM((nch, 128), jnp.int32),
            pltpu.VMEM((nch, 128), jnp.int32),
        ] + [pltpu.VMEM((128, d), jnp.float32) for _ in range(nring)] + [
            pltpu.SemaphoreType.DMA,
            pltpu.SemaphoreType.DMA,
            pltpu.VMEM_SHARED((arows, d), jnp.float32),
        ],
    )
    def k(src_hbm, dst_hbm, tab_hbm, out_hbm, src_v, dst_v, *rest):
        bufs = rest[:nring]
        gsem = rest[nring]
        ssem = rest[nring + 1]
        acc_sh = rest[nring + 2]
        c = lax.axis_index("c")
        s = lax.axis_index("s")
        w = s * NC + c

        @pl.loop(0, 128)
        def _(i):
            @pl.loop(0, d, step=16)
            def _(j):
                bufs[0][i, pl.ds(j, 16)] = jnp.zeros((16,), jnp.float32)

        pltpu.sync_copy(src_hbm.at[w], src_v)
        pltpu.sync_copy(dst_hbm.at[w], dst_v)

        base = s * zr
        for (o, n) in zchunks:
            pltpu.sync_copy(bufs[0].at[pl.ds(0, n)],
                            acc_sh.at[pl.ds(base + o, n)])

        for b in range(nbuf):
            pltpu.async_copy(tab_hbm.at[src_v.at[b]], bufs[b], gsem)
        plsc.subcore_barrier()

        @pl.loop(0, nch, step=nring)
        def _(j0):
            for b in range(nring):
                j = j0 + b
                pltpu.make_async_copy(
                    tab_hbm.at[pl.ds(0, 128)], bufs[b], gsem).wait()
                pltpu.async_copy(bufs[b], acc_sh.at[dst_v.at[j]], ssem,
                                 add=True)

                @pl.when(j >= nbuf)
                def _():
                    pltpu.make_async_copy(
                        tab_hbm.at[pl.ds(0, 128)], bufs[b], ssem).wait()

                @pl.when(j + nbuf < nch)
                def _():
                    pltpu.async_copy(
                        tab_hbm.at[src_v.at[j + nbuf]],
                        bufs[(b + nbuf) % nring], gsem)

        for b in range(nbuf):
            pltpu.make_async_copy(
                tab_hbm.at[pl.ds(0, 128)], bufs[b], ssem).wait()
        plsc.subcore_barrier()
        pltpu.sync_copy(acc_sh.at[pl.ds(s * rpt, rpt)],
                        bufs[0].at[pl.ds(0, rpt)])
        pltpu.sync_copy(bufs[0].at[pl.ds(0, rpt)],
                        out_hbm.at[pl.ds(c * orows + s * rpt, rpt)])

    return k


_edge0 = _make_edge_kernel(nch=80, arows=T0, orows=OUTR, d=D_H)


def _prep_body(hist_ref, x_ref, w_ref, xws_ref, r_ref):
    deg = hist_ref[0, :] + hist_ref[1, :]
    r = jnp.where(deg > 0, lax.rsqrt(jnp.maximum(deg, 1.0)), 0.0)
    r_ref[...] = r
    xw = jnp.dot(x_ref[...], w_ref[...], preferred_element_type=jnp.float32)
    xws_ref[...] = xw * r[:T0][:, None]


def _fin2_body(acc_ref, dd0_ref, b0_ref, ds1_ref, w1_ref, a_ref,
               dd1_ref, b1_ref, o_ref):
    h = ((acc_ref[:OUTR] + acc_ref[OUTR:]) * dd0_ref[...][:, None]
         + b0_ref[...][None, :])
    h = jnp.maximum(h, 0.0)
    row = lax.broadcasted_iota(jnp.int32, (OUTR, 1), 0)
    hs = jnp.where(row < N2, h * ds1_ref[...][:, None], 0.0)
    t = jnp.dot(hs, w1_ref[...], preferred_element_type=jnp.float32)
    a = a_ref[:T1] + a_ref[T1:]
    o_ref[...] = (jnp.dot(a, t, preferred_element_type=jnp.float32)
                  * dd1_ref[...][:, None] + b1_ref[...][None, :])


def _pad_chunk_idx(a, per_w, nch, dummy_base):
    a = a.reshape(NW, per_w)
    npad = nch * 128 - per_w
    pad = dummy_base + (jnp.arange(npad, dtype=jnp.int32) % 8)
    pad = jnp.broadcast_to(pad[None, :], (NW, npad))
    return jnp.concatenate([a, pad], axis=1).reshape(NW, nch, 128)


def kernel(x, edge_index_0, edge_index_1, W0, b0, W1, b1):
    f32 = jnp.float32
    src0, dst0 = edge_index_0[0], edge_index_0[1]
    src1, dst1 = edge_index_1[0], edge_index_1[1]

    hvals = jnp.concatenate(
        [src0, dst0 + B_DST0, src1 + B_SRC1, dst1 + B_DST1])
    hvals = hvals.reshape(NW, (2 * E0 + 2 * E1) // NW)
    npad = HCH * 128 - hvals.shape[1]
    hpad = DUMMY_BIN + (jnp.arange(npad, dtype=jnp.int32) % 16)
    hidx = jnp.concatenate(
        [hvals, jnp.broadcast_to(hpad[None, :], (NW, npad))], axis=1
    ).reshape(NW, HCH, 128)

    src0_3 = _pad_chunk_idx(src0, E0 // NW, 80, 5000)
    dst0_3 = _pad_chunk_idx(dst0, E0 // NW, 80, 5000)
    src1_3 = _pad_chunk_idx(src1, E1 // NW, 40, 1000)
    dst1_3 = _pad_chunk_idx(dst1, E1 // NW, 40, 1000)

    xp = jnp.concatenate([x[:N1], jnp.zeros((T0 - N1, D_IN), f32)], axis=0)
    W1p = jnp.concatenate([W1, jnp.zeros((D_H, D_H - D_OUT), f32)], axis=1)
    b1p = jnp.concatenate([b1, jnp.zeros((D_H - D_OUT,), f32)])

    hist_flat, a1_flat = _hist_kernel(hidx, src1_3, dst1_3)
    hist = hist_flat.reshape(NC, NB)
    a1 = a1_flat.reshape(NC * T1, T1)

    xw0s, r = pl.pallas_call(
        _prep_body,
        out_shape=[
            jax.ShapeDtypeStruct((T0, D_H), f32),
            jax.ShapeDtypeStruct((NB,), f32),
        ],
    )(hist, xp, W0)

    dd0 = r[B_DST0:B_DST0 + OUTR]
    ds1 = r[B_SRC1:B_SRC1 + OUTR]
    dd1 = r[B_DST1:B_DST1 + OUTR]

    acc0 = _edge0(src0_3, dst0_3, xw0s)

    outp = pl.pallas_call(
        _fin2_body,
        out_shape=jax.ShapeDtypeStruct((T1, D_H), f32),
    )(acc0, dd0, b0, ds1, W1p, a1, dd1, b1p)

    return outp[:N2, :D_OUT]

# --- scband reference (transcript-rebuilt; emitter-appended) ---
"""Pipeline reference for scband-gcn-52364241273249 (READ-ONLY COPY).

The authoritative reference and input builder live on the scoring server;
editing this copy changes nothing except your own understanding.
"""

import jax, jax.numpy as jnp
import numpy as np

N0, N1, N2 = 10000, 5000, 1000
D_IN, D_H, D_OUT = 128, 128, 47
E0, E1 = 320000, 160000


def _gcn_conv(x_src, edge_index, W, b, n_dst):
    src = edge_index[0]
    dst = edge_index[1]
    x = x_src @ W
    n_src = x_src.shape[0]
    deg_src = jnp.zeros((n_src,), x.dtype).at[src].add(1.0)
    deg_dst = jnp.zeros((n_dst,), x.dtype).at[dst].add(1.0)
    dsi = jnp.where(deg_src > 0, jax.lax.rsqrt(jnp.maximum(deg_src, 1.0)), 0.0)
    ddi = jnp.where(deg_dst > 0, jax.lax.rsqrt(jnp.maximum(deg_dst, 1.0)), 0.0)
    norm = dsi[src] * ddi[dst]
    msg = jnp.take(x, src, axis=0) * norm[:, None]
    out = jnp.zeros((n_dst, x.shape[1]), x.dtype).at[dst].add(msg)
    return out + b


def setup_inputs(seed: int = 0):
    key = jax.random.key(seed)
    ks = jax.random.split(key, 8)
    x = jax.random.normal(ks[0], (N0, D_IN), dtype=jnp.float32)
    edge_index_0 = jax.random.randint(ks[1], (2, E0), 0, N1, dtype=jnp.int32)
    edge_index_1 = jax.random.randint(ks[2], (2, E1), 0, N2, dtype=jnp.int32)
    W0 = jax.random.normal(ks[3], (D_IN, D_H), dtype=jnp.float32) / np.sqrt(D_IN)
    b0 = jnp.zeros((D_H,), jnp.float32)
    W1 = jax.random.normal(ks[4], (D_H, D_OUT), dtype=jnp.float32) / np.sqrt(D_H)
    b1 = jnp.zeros((D_OUT,), jnp.float32)
    return {"x": x, "edge_index_0": edge_index_0, "edge_index_1": edge_index_1,
            "W0": W0, "b0": b0, "W1": W1, "b1": b1}


def reference(x, edge_index_0, edge_index_1, W0, b0, W1, b1):
    # layer 0: bipartite GCNConv on (x, x[:N1]); eval mode -> dropout is identity
    h = _gcn_conv(x, edge_index_0, W0, b0, N1)
    h = jax.nn.relu(h)
    # layer 1 (last): no activation
    out = _gcn_conv(h, edge_index_1, W1, b1, N2)
    return out

if __name__ == "__main__":
    import jax
    _d = setup_inputs()
    print(jax.jit(kernel)(*tuple(_d.values())))

</pallas_src>

<mosaic_0001>
#map = affine_map<(d0, d1) -> (0, 0, 0)>
#map1 = affine_map<(d0, d1) -> (0)>
module attributes {stable_mosaic.version = 14 : i64} {
  func.func @_hist_kernel(%arg0: i32, %arg1: i32, %arg2: memref<32x235x128xi32, #tpu.memory_space<hbm>>, %arg3: memref<32x40x128xi32, #tpu.memory_space<hbm>>, %arg4: memref<32x40x128xi32, #tpu.memory_space<hbm>>, %arg5: memref<24064xf32, #tpu.memory_space<hbm>>, %arg6: memref<2097152xf32, #tpu.memory_space<hbm>>, %arg7: memref<235x128xi32, #tpu.memory_space<vmem>>, %arg8: memref<40x128xi32, #tpu.memory_space<vmem>>, %arg9: memref<40x128xi32, #tpu.memory_space<vmem>>, %arg10: memref<40x128xi32, #tpu.memory_space<vmem>>, %arg11: memref<752xf32, #tpu.memory_space<vmem>>, %arg12: memref<128xf32, #tpu.memory_space<vmem>>, %arg13: memref<16384xf32, #tpu.memory_space<vmem>>, %arg14: memref<12032xf32, #tpu.memory_space<vmem_shared>>, %arg15: memref<1048576xf32, #tpu.memory_space<vmem_shared>>) attributes {dimension_semantics = [#tpu.dimension_semantics<core_parallel>, #tpu.dimension_semantics<subcore_parallel>], iteration_bounds = array<i64: 2, 16>, scalar_prefetch = 0 : i64, scratch_operands = 9 : i64, tpu.core_type = #tpu.core_type<sc_vector_subcore>, window_params = [{transform_indices = #map}, {transform_indices = #map}, {transform_indices = #map}, {transform_indices = #map1}, {transform_indices = #map1}]} {
    %mul3A = arith.constant 2 : i32
    %mul3A_0 = arith.muli %arg1, %mul3A : i32
    %add3A = arith.addi %mul3A_0, %arg0 : i32
    %scan3A = arith.constant 0 : i32
    %scan3A_1 = arith.constant 47 : i32
    %scan3A_2 = arith.addi %scan3A, %scan3A_1 : i32
    %scan3A_3 = arith.constant 1 : i32
    scf.for %scan3A_50 = %scan3A to %scan3A_2 step %scan3A_3  : i32 {
      %mul3A_51 = arith.constant 16 : i32
      %mul3A_52 = arith.muli %scan3A_50, %mul3A_51 : i32
      %add3A_53 = arith.constant 0 : i32
      %add3A_54 = arith.addi %add3A_53, %mul3A_52 : i32
      %broadcast_in_dim3A = arith.constant 0.000000e+00 : f32
      %broadcast_in_dim3A_55 = vector.broadcast %broadcast_in_dim3A : f32 to vector<16xf32>
      %swap3A = arith.index_cast %add3A_54 : i32 to index
      %swap3A_56 = tpu.vector_load %arg11[%swap3A] {strides = array<i32>} : memref<752xf32, #tpu.memory_space<vmem>>, vector<16xf32>,
      %swap3A_57 = vector.shape_cast %swap3A_56 : vector<16xf32> to vector<16xf32>
      %swap3A_58 = vector.shape_cast %broadcast_in_dim3A_55 : vector<16xf32> to vector<16xf32>
      tpu.vector_store %arg11[%swap3A], %swap3A_58 {strides = array<i32>} : memref<752xf32, #tpu.memory_space<vmem>>, vector<16xf32>,
    }
    %scan3A_4 = arith.constant 47 : i32
    %scan3A_5 = arith.constant 0 : i32
    %scan3A_6 = arith.constant 8 : i32
    %scan3A_7 = arith.addi %scan3A_5, %scan3A_6 : i32
    %scan3A_8 = arith.constant 1 : i32
    scf.for %scan3A_50 = %scan3A_5 to %scan3A_7 step %scan3A_8  : i32 {
      %mul3A_51 = arith.constant 16 : i32
      %mul3A_52 = arith.muli %scan3A_50, %mul3A_51 : i32
      %add3A_53 = arith.constant 0 : i32
      %add3A_54 = arith.addi %add3A_53, %mul3A_52 : i32
      %broadcast_in_dim3A = arith.constant 1.000000e+00 : f32
      %broadcast_in_dim3A_55 = vector.broadcast %broadcast_in_dim3A : f32 to vector<16xf32>
      %swap3A = arith.index_cast %add3A_54 : i32 to index
      %swap3A_56 = tpu.vector_load %arg12[%swap3A] {strides = array<i32>} : memref<128xf32, #tpu.memory_space<vmem>>, vector<16xf32>,
      %swap3A_57 = vector.shape_cast %swap3A_56 : vector<16xf32> to vector<16xf32>
      %swap3A_58 = vector.shape_cast %broadcast_in_dim3A_55 : vector<16xf32> to vector<16xf32>
      tpu.vector_store %arg12[%swap3A], %swap3A_58 {strides = array<i32>} : memref<128xf32, #tpu.memory_space<vmem>>, vector<16xf32>,
    }
    %scan3A_9 = arith.constant 8 : i32
    %scan3A_10 = arith.constant 0 : i32
    %scan3A_11 = arith.constant 1024 : i32
    %scan3A_12 = arith.addi %scan3A_10, %scan3A_11 : i32
    %scan3A_13 = arith.constant 1 : i32
    scf.for %scan3A_50 = %scan3A_10 to %scan3A_12 step %scan3A_13  : i32 {
      %mul3A_51 = arith.constant 16 : i32
      %mul3A_52 = arith.muli %scan3A_50, %mul3A_51 : i32
      %add3A_53 = arith.constant 0 : i32
      %add3A_54 = arith.addi %add3A_53, %mul3A_52 : i32
      %broadcast_in_dim3A = arith.constant 0.000000e+00 : f32
      %broadcast_in_dim3A_55 = vector.broadcast %broadcast_in_dim3A : f32 to vector<16xf32>
      %swap3A = arith.index_cast %add3A_54 : i32 to index
      %swap3A_56 = tpu.vector_load %arg13[%swap3A] {strides = array<i32>} : memref<16384xf32, #tpu.memory_space<vmem>>, vector<16xf32>,
      %swap3A_57 = vector.shape_cast %swap3A_56 : vector<16xf32> to vector<16xf32>
      %swap3A_58 = vector.shape_cast %broadcast_in_dim3A_55 : vector<16xf32> to vector<16xf32>
      tpu.vector_store %arg13[%swap3A], %swap3A_58 {strides = array<i32>} : memref<16384xf32, #tpu.memory_space<vmem>>, vector<16xf32>,
    }
    %scan3A_14 = arith.constant 1024 : i32
    %mul3A_15 = arith.constant 752 : i32
    %mul3A_16 = arith.muli %arg1, %mul3A_15 : i32
    "tpu.region"() ({
      %run_scoped3A = tpu.sem_alloc : memref<!tpu.dma_semaphore, #tpu.memory_space<semaphore_mem>>
      %dma_start3A = tpu.memref_slice %arg14[%mul3A_16] : memref<12032xf32, #tpu.memory_space<vmem_shared>> -> memref<752xf32, #tpu.memory_space<vmem_shared>>
      %dma_start3A_50 = tpu.memref_slice %arg14[%mul3A_16] : memref<12032xf32, #tpu.memory_space<vmem_shared>> -> memref<752xf32, #tpu.memory_space<vmem_shared>>
      tpu.enqueue_dma source(%arg11 : memref<752xf32, #tpu.memory_space<vmem>>) target(%dma_start3A_50 : memref<752xf32, #tpu.memory_space<vmem_shared>>) target_semaphore(%run_scoped3A : memref<!tpu.dma_semaphore, #tpu.memory_space<semaphore_mem>>)
      %dma_wait3A = tpu.memref_slice %arg14[%mul3A_16] : memref<12032xf32, #tpu.memory_space<vmem_shared>> -> memref<752xf32, #tpu.memory_space<vmem_shared>>
      %dma_wait3A_51 = tpu.memref_slice %arg14[%mul3A_16] : memref<12032xf32, #tpu.memory_space<vmem_shared>> -> memref<752xf32, #tpu.memory_space<vmem_shared>>
      tpu.wait_dma2 semaphore(%run_scoped3A : memref<!tpu.dma_semaphore, #tpu.memory_space<semaphore_mem>>) src(%arg11 : memref<752xf32, #tpu.memory_space<vmem>>) dst(%dma_wait3A_51 : memref<752xf32, #tpu.memory_space<vmem_shared>>)
      tpu.yield
    }) : () -> ()
    %scan3A_17 = arith.constant 0 : i32
    %scan3A_18 = arith.constant 4 : i32
    %scan3A_19 = arith.addi %scan3A_17, %scan3A_18 : i32
    %scan3A_20 = arith.constant 1 : i32
    scf.for %scan3A_50 = %scan3A_17 to %scan3A_19 step %scan3A_20  : i32 {
      %mul3A_51 = arith.constant 16384 : i32
      %mul3A_52 = arith.muli %scan3A_50, %mul3A_51 : i32
      %add3A_53 = arith.constant 0 : i32
      %add3A_54 = arith.addi %add3A_53, %mul3A_52 : i32
      %mul3A_55 = arith.constant 65536 : i32
      %mul3A_56 = arith.muli %arg1, %mul3A_55 : i32
      %add3A_57 = arith.addi %mul3A_56, %add3A_54 : i32
      "tpu.region"() ({
        %run_scoped3A = tpu.sem_alloc : memref<!tpu.dma_semaphore, #tpu.memory_space<semaphore_mem>>
        %dma_start3A = tpu.memref_slice %arg15[%add3A_57] : memref<1048576xf32, #tpu.memory_space<vmem_shared>> -> memref<16384xf32, #tpu.memory_space<vmem_shared>>
        %dma_start3A_58 = tpu.memref_slice %arg15[%add3A_57] : memref<1048576xf32, #tpu.memory_space<vmem_shared>> -> memref<16384xf32, #tpu.memory_space<vmem_shared>>
        tpu.enqueue_dma source(%arg13 : memref<16384xf32, #tpu.memory_space<vmem>>) target(%dma_start3A_58 : memref<16384xf32, #tpu.memory_space<vmem_shared>>) target_semaphore(%run_scoped3A : memref<!tpu.dma_semaphore, #tpu.memory_space<semaphore_mem>>)
        %dma_wait3A = tpu.memref_slice %arg15[%add3A_57] : memref<1048576xf32, #tpu.memory_space<vmem_shared>> -> memref<16384xf32, #tpu.memory_space<vmem_shared>>
        %dma_wait3A_59 = tpu.memref_slice %arg15[%add3A_57] : memref<1048576xf32, #tpu.memory_space<vmem_shared>> -> memref<16384xf32, #tpu.memory_space<vmem_shared>>
        tpu.wait_dma2 semaphore(%run_scoped3A : memref<!tpu.dma_semaphore, #tpu.memory_space<semaphore_mem>>) src(%arg13 : memref<16384xf32, #tpu.memory_space<vmem>>) dst(%dma_wait3A_59 : memref<16384xf32, #tpu.memory_space<vmem_shared>>)
        tpu.yield
      }) : () -> ()
    }
    %scan3A_21 = arith.constant 4 : i32
    %barrier3A = arith.constant 0 : index
    tpu.barrier barrier_id(%barrier3A)
    "tpu.region"() ({
      %run_scoped3A = tpu.sem_alloc : memref<!tpu.dma_semaphore, #tpu.memory_space<semaphore_mem>>
      %dma_start3A = arith.constant 0 : i32
      %dma_start3A_50 = arith.constant 0 : i32
      %dma_start3A_51 = tpu.memref_slice %arg2[%add3A, %dma_start3A, %dma_start3A_50] : memref<32x235x128xi32, #tpu.memory_space<hbm>> -> memref<1x235x128xi32, #tpu.memory_space<hbm>>
      %dma_start3A_52 = tpu.memref_squeeze %dma_start3A_51 : memref<1x235x128xi32, #tpu.memory_space<hbm>> -> memref<235x128xi32, #tpu.memory_space<hbm>>
      %dma_start3A_53 = arith.constant 0 : i32
      %dma_start3A_54 = arith.constant 0 : i32
      %dma_start3A_55 = tpu.memref_slice %arg2[%add3A, %dma_start3A_53, %dma_start3A_54] : memref<32x235x128xi32, #tpu.memory_space<hbm>> -> memref<1x235x128xi32, #tpu.memory_space<hbm>>
      %dma_start3A_56 = tpu.memref_squeeze %dma_start3A_55 : memref<1x235x128xi32, #tpu.memory_space<hbm>> -> memref<235x128xi32, #tpu.memory_space<hbm>>
      tpu.enqueue_dma source(%dma_start3A_56 : memref<235x128xi32, #tpu.memory_space<hbm>>) target(%arg7 : memref<235x128xi32, #tpu.memory_space<vmem>>) target_semaphore(%run_scoped3A : memref<!tpu.dma_semaphore, #tpu.memory_space<semaphore_mem>>)
      %dma_wait3A = arith.constant 0 : i32
      %dma_wait3A_57 = arith.constant 0 : i32
      %dma_wait3A_58 = tpu.memref_slice %arg2[%add3A, %dma_wait3A, %dma_wait3A_57] : memref<32x235x128xi32, #tpu.memory_space<hbm>> -> memref<1x235x128xi32, #tpu.memory_space<hbm>>
      %dma_wait3A_59 = tpu.memref_squeeze %dma_wait3A_58 : memref<1x235x128xi32, #tpu.memory_space<hbm>> -> memref<235x128xi32, #tpu.memory_space<hbm>>
      %dma_wait3A_60 = arith.constant 0 : i32
      %dma_wait3A_61 = arith.constant 0 : i32
      %dma_wait3A_62 = tpu.memref_slice %arg2[%add3A, %dma_wait3A_60, %dma_wait3A_61] : memref<32x235x128xi32, #tpu.memory_space<hbm>> -> memref<1x235x128xi32, #tpu.memory_space<hbm>>
      %dma_wait3A_63 = tpu.memref_squeeze %dma_wait3A_62 : memref<1x235x128xi32, #tpu.memory_space<hbm>> -> memref<235x128xi32, #tpu.memory_space<hbm>>
      tpu.wait_dma2 semaphore(%run_scoped3A : memref<!tpu.dma_semaphore, #tpu.memory_space<semaphore_mem>>) src(%dma_wait3A_63 : memref<235x128xi32, #tpu.memory_space<hbm>>) dst(%arg7 : memref<235x128xi32, #tpu.memory_space<vmem>>)
      tpu.yield
    }) : () -> ()
    %scan3A_22 = arith.constant 0 : i32
    %scan3A_23 = arith.constant 235 : i32
    %scan3A_24 = arith.addi %scan3A_22, %scan3A_23 : i32
    %scan3A_25 = arith.constant 1 : i32
    scf.for %scan3A_50 = %scan3A_22 to %scan3A_24 step %scan3A_25  : i32 {
      %mul3A_51 = arith.constant 1 : i32
      %mul3A_52 = arith.muli %scan3A_50, %mul3A_51 : i32
      %add3A_53 = arith.constant 0 : i32
      %add3A_54 = arith.addi %add3A_53, %mul3A_52 : i32
      "tpu.region"() ({
        %run_scoped3A = tpu.sem_alloc : memref<!tpu.dma_semaphore, #tpu.memory_space<semaphore_mem>>
        %dma_start3A = arith.constant 0 : i32
        %dma_start3A_55 = tpu.memref_slice %arg7[%add3A_54, %dma_start3A] : memref<235x128xi32, #tpu.memory_space<vmem>> -> memref<1x128xi32, #tpu.memory_space<vmem>>
        %dma_start3A_56 = tpu.memref_squeeze %dma_start3A_55 : memref<1x128xi32, #tpu.memory_space<vmem>> -> memref<128xi32, #tpu.memory_space<vmem>>
        %dma_start3A_57 = arith.constant 0 : i32
        %dma_start3A_58 = tpu.memref_slice %arg14[%dma_start3A_57] : memref<12032xf32, #tpu.memory_space<vmem_shared>> -> memref<12032xf32, #tpu.memory_space<vmem_shared>>
        tpu.enqueue_indirect_dma source(%arg12 : memref<128xf32, #tpu.memory_space<vmem>>) target(%dma_start3A_58 : memref<12032xf32, #tpu.memory_space<vmem_shared>>) offsets(%dma_start3A_56 : memref<128xi32, #tpu.memory_space<vmem>>) semaphore(%run_scoped3A : memref<!tpu.dma_semaphore, #tpu.memory_space<semaphore_mem>>) {add = true}
        %dma_wait3A = arith.constant 0 : i32
        %dma_wait3A_59 = tpu.memref_slice %arg7[%add3A_54, %dma_wait3A] : memref<235x128xi32, #tpu.memory_space<vmem>> -> memref<1x128xi32, #tpu.memory_space<vmem>>
        %dma_wait3A_60 = tpu.memref_squeeze %dma_wait3A_59 : memref<1x128xi32, #tpu.memory_space<vmem>> -> memref<128xi32, #tpu.memory_space<vmem>>
        %dma_wait3A_61 = arith.constant 0 : i32
        %dma_wait3A_62 = tpu.memref_slice %arg14[%dma_wait3A_61] : memref<12032xf32, #tpu.memory_space<vmem_shared>> -> memref<12032xf32, #tpu.memory_space<vmem_shared>>
        tpu.wait_indirect_dma semaphore(%run_scoped3A : memref<!tpu.dma_semaphore, #tpu.memory_space<semaphore_mem>>) src(%arg12 : memref<128xf32, #tpu.memory_space<vmem>>) dst(%dma_wait3A_62 : memref<12032xf32, #tpu.memory_space<vmem_shared>>)
        tpu.yield
      }) : () -> ()
    }
    %scan3A_26 = arith.constant 235 : i32
    "tpu.region"() ({
      %run_scoped3A = tpu.sem_alloc : memref<!tpu.dma_semaphore, #tpu.memory_space<semaphore_mem>>
      %dma_start3A = arith.constant 0 : i32
      %dma_start3A_50 = arith.constant 0 : i32
      %dma_start3A_51 = tpu.memref_slice %arg3[%add3A, %dma_start3A, %dma_start3A_50] : memref<32x40x128xi32, #tpu.memory_space<hbm>> -> memref<1x40x128xi32, #tpu.memory_space<hbm>>
      %dma_start3A_52 = tpu.memref_squeeze %dma_start3A_51 : memref<1x40x128xi32, #tpu.memory_space<hbm>> -> memref<40x128xi32, #tpu.memory_space<hbm>>
      %dma_start3A_53 = arith.constant 0 : i32
      %dma_start3A_54 = arith.constant 0 : i32
      %dma_start3A_55 = tpu.memref_slice %arg3[%add3A, %dma_start3A_53, %dma_start3A_54] : memref<32x40x128xi32, #tpu.memory_space<hbm>> -> memref<1x40x128xi32, #tpu.memory_space<hbm>>
      %dma_start3A_56 = tpu.memref_squeeze %dma_start3A_55 : memref<1x40x128xi32, #tpu.memory_space<hbm>> -> memref<40x128xi32, #tpu.memory_space<hbm>>
      tpu.enqueue_dma source(%dma_start3A_56 : memref<40x128xi32, #tpu.memory_space<hbm>>) target(%arg8 : memref<40x128xi32, #tpu.memory_space<vmem>>) target_semaphore(%run_scoped3A : memref<!tpu.dma_semaphore, #tpu.memory_space<semaphore_mem>>)
      %dma_wait3A = arith.constant 0 : i32
      %dma_wait3A_57 = arith.constant 0 : i32
      %dma_wait3A_58 = tpu.memref_slice %arg3[%add3A, %dma_wait3A, %dma_wait3A_57] : memref<32x40x128xi32, #tpu.memory_space<hbm>> -> memref<1x40x128xi32, #tpu.memory_space<hbm>>
      %dma_wait3A_59 = tpu.memref_squeeze %dma_wait3A_58 : memref<1x40x128xi32, #tpu.memory_space<hbm>> -> memref<40x128xi32, #tpu.memory_space<hbm>>
      %dma_wait3A_60 = arith.constant 0 : i32
      %dma_wait3A_61 = arith.constant 0 : i32
      %dma_wait3A_62 = tpu.memref_slice %arg3[%add3A, %dma_wait3A_60, %dma_wait3A_61] : memref<32x40x128xi32, #tpu.memory_space<hbm>> -> memref<1x40x128xi32, #tpu.memory_space<hbm>>
      %dma_wait3A_63 = tpu.memref_squeeze %dma_wait3A_62 : memref<1x40x128xi32, #tpu.memory_space<hbm>> -> memref<40x128xi32, #tpu.memory_space<hbm>>
      tpu.wait_dma2 semaphore(%run_scoped3A : memref<!tpu.dma_semaphore, #tpu.memory_space<semaphore_mem>>) src(%dma_wait3A_63 : memref<40x128xi32, #tpu.memory_space<hbm>>) dst(%arg8 : memref<40x128xi32, #tpu.memory_space<vmem>>)
      tpu.yield
    }) : () -> ()
    "tpu.region"() ({
      %run_scoped3A = tpu.sem_alloc : memref<!tpu.dma_semaphore, #tpu.memory_space<semaphore_mem>>
      %dma_start3A = arith.constant 0 : i32
      %dma_start3A_50 = arith.constant 0 : i32
      %dma_start3A_51 = tpu.memref_slice %arg4[%add3A, %dma_start3A, %dma_start3A_50] : memref<32x40x128xi32, #tpu.memory_space<hbm>> -> memref<1x40x128xi32, #tpu.memory_space<hbm>>
      %dma_start3A_52 = tpu.memref_squeeze %dma_start3A_51 : memref<1x40x128xi32, #tpu.memory_space<hbm>> -> memref<40x128xi32, #tpu.memory_space<hbm>>
      %dma_start3A_53 = arith.constant 0 : i32
      %dma_start3A_54 = arith.constant 0 : i32
      %dma_start3A_55 = tpu.memref_slice %arg4[%add3A, %dma_start3A_53, %dma_start3A_54] : memref<32x40x128xi32, #tpu.memory_space<hbm>> -> memref<1x40x128xi32, #tpu.memory_space<hbm>>
      %dma_start3A_56 = tpu.memref_squeeze %dma_start3A_55 : memref<1x40x128xi32, #tpu.memory_space<hbm>> -> memref<40x128xi32, #tpu.memory_space<hbm>>
      tpu.enqueue_dma source(%dma_start3A_56 : memref<40x128xi32, #tpu.memory_space<hbm>>) target(%arg9 : memref<40x128xi32, #tpu.memory_space<vmem>>) target_semaphore(%run_scoped3A : memref<!tpu.dma_semaphore, #tpu.memory_space<semaphore_mem>>)
      %dma_wait3A = arith.constant 0 : i32
      %dma_wait3A_57 = arith.constant 0 : i32
      %dma_wait3A_58 = tpu.memref_slice %arg4[%add3A, %dma_wait3A, %dma_wait3A_57] : memref<32x40x128xi32, #tpu.memory_space<hbm>> -> memref<1x40x128xi32, #tpu.memory_space<hbm>>
      %dma_wait3A_59 = tpu.memref_squeeze %dma_wait3A_58 : memref<1x40x128xi32, #tpu.memory_space<hbm>> -> memref<40x128xi32, #tpu.memory_space<hbm>>
      %dma_wait3A_60 = arith.constant 0 : i32
      %dma_wait3A_61 = arith.constant 0 : i32
      %dma_wait3A_62 = tpu.memref_slice %arg4[%add3A, %dma_wait3A_60, %dma_wait3A_61] : memref<32x40x128xi32, #tpu.memory_space<hbm>> -> memref<1x40x128xi32, #tpu.memory_space<hbm>>
      %dma_wait3A_63 = tpu.memref_squeeze %dma_wait3A_62 : memref<1x40x128xi32, #tpu.memory_space<hbm>> -> memref<40x128xi32, #tpu.memory_space<hbm>>
      tpu.wait_dma2 semaphore(%run_scoped3A : memref<!tpu.dma_semaphore, #tpu.memory_space<semaphore_mem>>) src(%dma_wait3A_63 : memref<40x128xi32, #tpu.memory_space<hbm>>) dst(%arg9 : memref<40x128xi32, #tpu.memory_space<vmem>>)
      tpu.yield
    }) : () -> ()
    %scan3A_27 = arith.constant 0 : i32
    %scan3A_28 = arith.constant 40 : i32
    %scan3A_29 = arith.addi %scan3A_27, %scan3A_28 : i32
    %scan3A_30 = arith.constant 1 : i32
    scf.for %scan3A_50 = %scan3A_27 to %scan3A_29 step %scan3A_30  : i32 {
      %mul3A_51 = arith.constant 1 : i32
      %mul3A_52 = arith.muli %scan3A_50, %mul3A_51 : i32
      %add3A_53 = arith.constant 0 : i32
      %add3A_54 = arith.addi %add3A_53, %mul3A_52 : i32
      %scan3A_55 = arith.constant 0 : i32
      %scan3A_56 = arith.constant 8 : i32
      %scan3A_57 = arith.addi %scan3A_55, %scan3A_56 : i32
      %scan3A_58 = arith.constant 1 : i32
      scf.for %scan3A_60 = %scan3A_55 to %scan3A_57 step %scan3A_58  : i32 {
        %mul3A_61 = arith.constant 16 : i32
        %mul3A_62 = arith.muli %scan3A_60, %mul3A_61 : i32
        %add3A_63 = arith.constant 0 : i32
        %add3A_64 = arith.addi %add3A_63, %mul3A_62 : i32
        %get3A = arith.index_cast %add3A_54 : i32 to index
        %get3A_65 = arith.index_cast %add3A_64 : i32 to index
        %get3A_66 = tpu.vector_load %arg9[%get3A, %get3A_65] {strides = array<i32>} : memref<40x128xi32, #tpu.memory_space<vmem>>, vector<1x16xi32>,
        %get3A_67 = vector.shape_cast %get3A_66 : vector<1x16xi32> to vector<16xi32>
        %mul3A_68 = arith.constant 1024 : i32
        %mul3A_69 = vector.broadcast %mul3A_68 : i32 to vector<16xi32>
        %mul3A_70 = arith.muli %get3A_67, %mul3A_69 : vector<16xi32>
        %get3A_71 = arith.index_cast %add3A_54 : i32 to index
        %get3A_72 = arith.index_cast %add3A_64 : i32 to index
        %get3A_73 = tpu.vector_load %arg8[%get3A_71, %get3A_72] {strides = array<i32>} : memref<40x128xi32, #tpu.memory_space<vmem>>, vector<1x16xi32>,
        %get3A_74 = vector.shape_cast %get3A_73 : vector<1x16xi32> to vector<16xi32>
        %add3A_75 = arith.addi %mul3A_70, %get3A_74 : vector<16xi32>
        %swap3A = arith.index_cast %add3A_54 : i32 to index
        %swap3A_76 = arith.index_cast %add3A_64 : i32 to index
        %swap3A_77 = tpu.vector_load %arg10[%swap3A, %swap3A_76] {strides = array<i32>} : memref<40x128xi32, #tpu.memory_space<vmem>>, vector<1x16xi32>,
        %swap3A_78 = vector.shape_cast %swap3A_77 : vector<1x16xi32> to vector<16xi32>
        %swap3A_79 = vector.shape_cast %add3A_75 : vector<16xi32> to vector<1x16xi32>
        tpu.vector_store %arg10[%swap3A, %swap3A_76], %swap3A_79 {strides = array<i32>} : memref<40x128xi32, #tpu.memory_space<vmem>>, vector<1x16xi32>,
      }
      %scan3A_59 = arith.constant 8 : i32
    }
    %scan3A_31 = arith.constant 40 : i32
    %scan3A_32 = arith.constant 0 : i32
    %scan3A_33 = arith.constant 40 : i32
    %scan3A_34 = arith.addi %scan3A_32, %scan3A_33 : i32
    %scan3A_35 = arith.constant 1 : i32
    scf.for %scan3A_50 = %scan3A_32 to %scan3A_34 step %scan3A_35  : i32 {
      %mul3A_51 = arith.constant 1 : i32
      %mul3A_52 = arith.muli %scan3A_50, %mul3A_51 : i32
      %add3A_53 = arith.constant 0 : i32
      %add3A_54 = arith.addi %add3A_53, %mul3A_52 : i32
      "tpu.region"() ({
        %run_scoped3A = tpu.sem_alloc : memref<!tpu.dma_semaphore, #tpu.memory_space<semaphore_mem>>
        %dma_start3A = arith.constant 0 : i32
        %dma_start3A_55 = tpu.memref_slice %arg10[%add3A_54, %dma_start3A] : memref<40x128xi32, #tpu.memory_space<vmem>> -> memref<1x128xi32, #tpu.memory_space<vmem>>
        %dma_start3A_56 = tpu.memref_squeeze %dma_start3A_55 : memref<1x128xi32, #tpu.memory_space<vmem>> -> memref<128xi32, #tpu.memory_space<vmem>>
        %dma_start3A_57 = arith.constant 0 : i32
        %dma_start3A_58 = tpu.memref_slice %arg15[%dma_start3A_57] : memref<1048576xf32, #tpu.memory_space<vmem_shared>> -> memref<1048576xf32, #tpu.memory_space<vmem_shared>>
        tpu.enqueue_indirect_dma source(%arg12 : memref<128xf32, #tpu.memory_space<vmem>>) target(%dma_start3A_58 : memref<1048576xf32, #tpu.memory_space<vmem_shared>>) offsets(%dma_start3A_56 : memref<128xi32, #tpu.memory_space<vmem>>) semaphore(%run_scoped3A : memref<!tpu.dma_semaphore, #tpu.memory_space<semaphore_mem>>) {add = true}
        %dma_wait3A = arith.constant 0 : i32
        %dma_wait3A_59 = tpu.memref_slice %arg10[%add3A_54, %dma_wait3A] : memref<40x128xi32, #tpu.memory_space<vmem>> -> memref<1x128xi32, #tpu.memory_space<vmem>>
        %dma_wait3A_60 = tpu.memref_squeeze %dma_wait3A_59 : memref<1x128xi32, #tpu.memory_space<vmem>> -> memref<128xi32, #tpu.memory_space<vmem>>
        %dma_wait3A_61 = arith.constant 0 : i32
        %dma_wait3A_62 = tpu.memref_slice %arg15[%dma_wait3A_61] : memref<1048576xf32, #tpu.memory_space<vmem_shared>> -> memref<1048576xf32, #tpu.memory_space<vmem_shared>>
        tpu.wait_indirect_dma semaphore(%run_scoped3A : memref<!tpu.dma_semaphore, #tpu.memory_space<semaphore_mem>>) src(%arg12 : memref<128xf32, #tpu.memory_space<vmem>>) dst(%dma_wait3A_62 : memref<1048576xf32, #tpu.memory_space<vmem_shared>>)
        tpu.yield
      }) : () -> ()
    }
    %scan3A_36 = arith.constant 40 : i32
    %barrier3A_37 = arith.constant 0 : index
    tpu.barrier barrier_id(%barrier3A_37)
    %mul3A_38 = arith.constant 752 : i32
    %mul3A_39 = arith.muli %arg1, %mul3A_38 : i32
    "tpu.region"() ({
      %run_scoped3A = tpu.sem_alloc : memref<!tpu.dma_semaphore, #tpu.memory_space<semaphore_mem>>
      %dma_start3A = tpu.memref_slice %arg14[%mul3A_39] : memref<12032xf32, #tpu.memory_space<vmem_shared>> -> memref<752xf32, #tpu.memory_space<vmem_shared>>
      %dma_start3A_50 = tpu.memref_slice %arg14[%mul3A_39] : memref<12032xf32, #tpu.memory_space<vmem_shared>> -> memref<752xf32, #tpu.memory_space<vmem_shared>>
      tpu.enqueue_dma source(%dma_start3A_50 : memref<752xf32, #tpu.memory_space<vmem_shared>>) target(%arg11 : memref<752xf32, #tpu.memory_space<vmem>>) target_semaphore(%run_scoped3A : memref<!tpu.dma_semaphore, #tpu.memory_space<semaphore_mem>>)
      %dma_wait3A = tpu.memref_slice %arg14[%mul3A_39] : memref<12032xf32, #tpu.memory_space<vmem_shared>> -> memref<752xf32, #tpu.memory_space<vmem_shared>>
      %dma_wait3A_51 = tpu.memref_slice %arg14[%mul3A_39] : memref<12032xf32, #tpu.memory_space<vmem_shared>> -> memref<752xf32, #tpu.memory_space<vmem_shared>>
      tpu.wait_dma2 semaphore(%run_scoped3A : memref<!tpu.dma_semaphore, #tpu.memory_space<semaphore_mem>>) src(%dma_wait3A_51 : memref<752xf32, #tpu.memory_space<vmem_shared>>) dst(%arg11 : memref<752xf32, #tpu.memory_space<vmem>>)
      tpu.yield
    }) : () -> ()
    %mul3A_40 = arith.constant 12032 : i32
    %mul3A_41 = arith.muli %arg0, %mul3A_40 : i32
    %mul3A_42 = arith.constant 752 : i32
    %mul3A_43 = arith.muli %arg1, %mul3A_42 : i32
    %add3A_44 = arith.addi %mul3A_41, %mul3A_43 : i32
    "tpu.region"() ({
      %run_scoped3A = tpu.sem_alloc : memref<!tpu.dma_semaphore, #tpu.memory_space<semaphore_mem>>
      %dma_start3A = tpu.memref_slice %arg5[%add3A_44] : memref<24064xf32, #tpu.memory_space<hbm>> -> memref<752xf32, #tpu.memory_space<hbm>>
      %dma_start3A_50 = tpu.memref_slice %arg5[%add3A_44] : memref<24064xf32, #tpu.memory_space<hbm>> -> memref<752xf32, #tpu.memory_space<hbm>>
      tpu.enqueue_dma source(%arg11 : memref<752xf32, #tpu.memory_space<vmem>>) target(%dma_start3A_50 : memref<752xf32, #tpu.memory_space<hbm>>) target_semaphore(%run_scoped3A : memref<!tpu.dma_semaphore, #tpu.memory_space<semaphore_mem>>)
      %dma_wait3A = tpu.memref_slice %arg5[%add3A_44] : memref<24064xf32, #tpu.memory_space<hbm>> -> memref<752xf32, #tpu.memory_space<hbm>>
      %dma_wait3A_51 = tpu.memref_slice %arg5[%add3A_44] : memref<24064xf32, #tpu.memory_space<hbm>> -> memref<752xf32, #tpu.memory_space<hbm>>
      tpu.wait_dma2 semaphore(%run_scoped3A : memref<!tpu.dma_semaphore, #tpu.memory_space<semaphore_mem>>) src(%arg11 : memref<752xf32, #tpu.memory_space<vmem>>) dst(%dma_wait3A_51 : memref<752xf32, #tpu.memory_space<hbm>>)
      tpu.yield
    }) : () -> ()
    %scan3A_45 = arith.constant 0 : i32
    %scan3A_46 = arith.constant 4 : i32
    %scan3A_47 = arith.addi %scan3A_45, %scan3A_46 : i32
    %scan3A_48 = arith.constant 1 : i32
    scf.for %scan3A_50 = %scan3A_45 to %scan3A_47 step %scan3A_48  : i32 {
      %mul3A_51 = arith.constant 16384 : i32
      %mul3A_52 = arith.muli %scan3A_50, %mul3A_51 : i32
      %add3A_53 = arith.constant 0 : i32
      %add3A_54 = arith.addi %add3A_53, %mul3A_52 : i32
      %mul3A_55 = arith.constant 65536 : i32
      %mul3A_56 = arith.muli %arg1, %mul3A_55 : i32
      %add3A_57 = arith.addi %mul3A_56, %add3A_54 : i32
      "tpu.region"() ({
        %run_scoped3A = tpu.sem_alloc : memref<!tpu.dma_semaphore, #tpu.memory_space<semaphore_mem>>
        %dma_start3A = tpu.memref_slice %arg15[%add3A_57] : memref<1048576xf32, #tpu.memory_space<vmem_shared>> -> memref<16384xf32, #tpu.memory_space<vmem_shared>>
        %dma_start3A_64 = tpu.memref_slice %arg15[%add3A_57] : memref<1048576xf32, #tpu.memory_space<vmem_shared>> -> memref<16384xf32, #tpu.memory_space<vmem_shared>>
        tpu.enqueue_dma source(%dma_start3A_64 : memref<16384xf32, #tpu.memory_space<vmem_shared>>) target(%arg13 : memref<16384xf32, #tpu.memory_space<vmem>>) target_semaphore(%run_scoped3A : memref<!tpu.dma_semaphore, #tpu.memory_space<semaphore_mem>>)
        %dma_wait3A = tpu.memref_slice %arg15[%add3A_57] : memref<1048576xf32, #tpu.memory_space<vmem_shared>> -> memref<16384xf32, #tpu.memory_space<vmem_shared>>
        %dma_wait3A_65 = tpu.memref_slice %arg15[%add3A_57] : memref<1048576xf32, #tpu.memory_space<vmem_shared>> -> memref<16384xf32, #tpu.memory_space<vmem_shared>>
        tpu.wait_dma2 semaphore(%run_scoped3A : memref<!tpu.dma_semaphore, #tpu.memory_space<semaphore_mem>>) src(%dma_wait3A_65 : memref<16384xf32, #tpu.memory_space<vmem_shared>>) dst(%arg13 : memref<16384xf32, #tpu.memory_space<vmem>>)
        tpu.yield
      }) : () -> ()
      %mul3A_58 = arith.constant 1048576 : i32
      %mul3A_59 = arith.muli %arg0, %mul3A_58 : i32
      %mul3A_60 = arith.constant 65536 : i32
      %mul3A_61 = arith.muli %arg1, %mul3A_60 : i32
      %add3A_62 = arith.addi %mul3A_59, %mul3A_61 : i32
      %add3A_63 = arith.addi %add3A_62, %add3A_54 : i32
      "tpu.region"() ({
        %run_scoped3A = tpu.sem_alloc : memref<!tpu.dma_semaphore, #tpu.memory_space<semaphore_mem>>
        %dma_start3A = tpu.memref_slice %arg6[%add3A_63] : memref<2097152xf32, #tpu.memory_space<hbm>> -> memref<16384xf32, #tpu.memory_space<hbm>>
        %dma_start3A_64 = tpu.memref_slice %arg6[%add3A_63] : memref<2097152xf32, #tpu.memory_space<hbm>> -> memref<16384xf32, #tpu.memory_space<hbm>>
        tpu.enqueue_dma source(%arg13 : memref<16384xf32, #tpu.memory_space<vmem>>) target(%dma_start3A_64 : memref<16384xf32, #tpu.memory_space<hbm>>) target_semaphore(%run_scoped3A : memref<!tpu.dma_semaphore, #tpu.memory_space<semaphore_mem>>)
        %dma_wait3A = tpu.memref_slice %arg6[%add3A_63] : memref<2097152xf32, #tpu.memory_space<hbm>> -> memref<16384xf32, #tpu.memory_space<hbm>>
        %dma_wait3A_65 = tpu.memref_slice %arg6[%add3A_63] : memref<2097152xf32, #tpu.memory_space<hbm>> -> memref<16384xf32, #tpu.memory_space<hbm>>
        tpu.wait_dma2 semaphore(%run_scoped3A : memref<!tpu.dma_semaphore, #tpu.memory_space<semaphore_mem>>) src(%arg13 : memref<16384xf32, #tpu.memory_space<vmem>>) dst(%dma_wait3A_65 : memref<16384xf32, #tpu.memory_space<hbm>>)
        tpu.yield
      }) : () -> ()
    }
    %scan3A_49 = arith.constant 4 : i32
    return
  }
}

#map = affine_map<(d0, d1) -> (0, 0, 0)>
#map1 = affine_map<(d0, d1) -> (0, 0)>
module attributes {stable_mosaic.version = 14 : i64} {
  func.func @k(%arg0: i32, %arg1: i32, %arg2: memref<32x80x128xi32, #tpu.memory_space<hbm>>, %arg3: memref<32x80x128xi32, #tpu.memory_space<hbm>>, %arg4: memref<5008x128xf32, #tpu.memory_space<hbm>>, %arg5: memref<2048x128xf32, #tpu.memory_space<hbm>>, %arg6: memref<80x128xi32, #tpu.memory_space<vmem>>, %arg7: memref<80x128xi32, #tpu.memory_space<vmem>>, %arg8: memref<128x128xf32, #tpu.memory_space<vmem>>, %arg9: memref<128x128xf32, #tpu.memory_space<vmem>>, %arg10: memref<128x128xf32, #tpu.memory_space<vmem>>, %arg11: memref<128x128xf32, #tpu.memory_space<vmem>>, %arg12: memref<!tpu.dma_semaphore, #tpu.memory_space<semaphore_mem>>, %arg13: memref<!tpu.dma_semaphore, #tpu.memory_space<semaphore_mem>>, %arg14: memref<5008x128xf32, #tpu.memory_space<vmem_shared>>) attributes {dimension_semantics = [#tpu.dimension_semantics<core_parallel>, #tpu.dimension_semantics<subcore_parallel>], iteration_bounds = array<i64: 2, 16>, scalar_prefetch = 0 : i64, scratch_operands = 9 : i64, tpu.core_type = #tpu.core_type<sc_vector_subcore>, window_params = [{transform_indices = #map}, {transform_indices = #map}, {transform_indices = #map1}, {transform_indices = #map1}]} {
    %mul3A = arith.constant 2 : i32
    %mul3A_0 = arith.muli %arg1, %mul3A : i32
    %add3A = arith.addi %mul3A_0, %arg0 : i32
    %scan3A = arith.constant 0 : i32
    %scan3A_1 = arith.constant 128 : i32
    %scan3A_2 = arith.addi %scan3A, %scan3A_1 : i32
    %scan3A_3 = arith.constant 1 : i32
    scf.for %scan3A_50 = %scan3A to %scan3A_2 step %scan3A_3  : i32 {
      %mul3A_51 = arith.constant 1 : i32
      %mul3A_52 = arith.muli %scan3A_50, %mul3A_51 : i32
      %add3A_53 = arith.constant 0 : i32
      %add3A_54 = arith.addi %add3A_53, %mul3A_52 : i32
      %scan3A_55 = arith.constant 0 : i32
      %scan3A_56 = arith.constant 8 : i32
      %scan3A_57 = arith.addi %scan3A_55, %scan3A_56 : i32
      %scan3A_58 = arith.constant 1 : i32
      scf.for %scan3A_60 = %scan3A_55 to %scan3A_57 step %scan3A_58  : i32 {
        %mul3A_61 = arith.constant 16 : i32
        %mul3A_62 = arith.muli %scan3A_60, %mul3A_61 : i32
        %add3A_63 = arith.constant 0 : i32
        %add3A_64 = arith.addi %add3A_63, %mul3A_62 : i32
        %broadcast_in_dim3A = arith.constant 0.000000e+00 : f32
        %broadcast_in_dim3A_65 = vector.broadcast %broadcast_in_dim3A : f32 to vector<16xf32>
        %swap3A = arith.index_cast %add3A_54 : i32 to index
        %swap3A_66 = arith.index_cast %add3A_64 : i32 to index
        %swap3A_67 = tpu.vector_load %arg8[%swap3A, %swap3A_66] {strides = array<i32>} : memref<128x128xf32, #tpu.memory_space<vmem>>, vector<1x16xf32>,
        %swap3A_68 = vector.shape_cast %swap3A_67 : vector<1x16xf32> to vector<16xf32>
        %swap3A_69 = vector.shape_cast %broadcast_in_dim3A_65 : vector<16xf32> to vector<1x16xf32>
        tpu.vector_store %arg8[%swap3A, %swap3A_66], %swap3A_69 {strides = array<i32>} : memref<128x128xf32, #tpu.memory_space<vmem>>, vector<1x16xf32>,
      }
      %scan3A_59 = arith.constant 8 : i32
    }
    %scan3A_4 = arith.constant 128 : i32
    "tpu.region"() ({
      %run_scoped3A = tpu.sem_alloc : memref<!tpu.dma_semaphore, #tpu.memory_space<semaphore_mem>>
      %dma_start3A_50 = arith.constant 0 : i32
      %dma_start3A_51 = arith.constant 0 : i32
      %dma_start3A_52 = tpu.memref_slice %arg2[%add3A, %dma_start3A_50, %dma_start3A_51] : memref<32x80x128xi32, #tpu.memory_space<hbm>> -> memref<1x80x128xi32, #tpu.memory_space<hbm>>
      %dma_start3A_53 = tpu.memref_squeeze %dma_start3A_52 : memref<1x80x128xi32, #tpu.memory_space<hbm>> -> memref<80x128xi32, #tpu.memory_space<hbm>>
      %dma_start3A_54 = arith.constant 0 : i32
      %dma_start3A_55 = arith.constant 0 : i32
      %dma_start3A_56 = tpu.memref_slice %arg2[%add3A, %dma_start3A_54, %dma_start3A_55] : memref<32x80x128xi32, #tpu.memory_space<hbm>> -> memref<1x80x128xi32, #tpu.memory_space<hbm>>
      %dma_start3A_57 = tpu.memref_squeeze %dma_start3A_56 : memref<1x80x128xi32, #tpu.memory_space<hbm>> -> memref<80x128xi32, #tpu.memory_space<hbm>>
      tpu.enqueue_dma source(%dma_start3A_57 : memref<80x128xi32, #tpu.memory_space<hbm>>) target(%arg6 : memref<80x128xi32, #tpu.memory_space<vmem>>) target_semaphore(%run_scoped3A : memref<!tpu.dma_semaphore, #tpu.memory_space<semaphore_mem>>)
      %dma_wait3A_58 = arith.constant 0 : i32
      %dma_wait3A_59 = arith.constant 0 : i32
      %dma_wait3A_60 = tpu.memref_slice %arg2[%add3A, %dma_wait3A_58, %dma_wait3A_59] : memref<32x80x128xi32, #tpu.memory_space<hbm>> -> memref<1x80x128xi32, #tpu.memory_space<hbm>>
      %dma_wait3A_61 = tpu.memref_squeeze %dma_wait3A_60 : memref<1x80x128xi32, #tpu.memory_space<hbm>> -> memref<80x128xi32, #tpu.memory_space<hbm>>
      %dma_wait3A_62 = arith.constant 0 : i32
      %dma_wait3A_63 = arith.constant 0 : i32
      %dma_wait3A_64 = tpu.memref_slice %arg2[%add3A, %dma_wait3A_62, %dma_wait3A_63] : memref<32x80x128xi32, #tpu.memory_space<hbm>> -> memref<1x80x128xi32, #tpu.memory_space<hbm>>
      %dma_wait3A_65 = tpu.memref_squeeze %dma_wait3A_64 : memref<1x80x128xi32, #tpu.memory_space<hbm>> -> memref<80x128xi32, #tpu.memory_space<hbm>>
      tpu.wait_dma2 semaphore(%run_scoped3A : memref<!tpu.dma_semaphore, #tpu.memory_space<semaphore_mem>>) src(%dma_wait3A_65 : memref<80x128xi32, #tpu.memory_space<hbm>>) dst(%arg6 : memref<80x128xi32, #tpu.memory_space<vmem>>)
      tpu.yield
    }) : () -> ()
    "tpu.region"() ({
      %run_scoped3A = tpu.sem_alloc : memref<!tpu.dma_semaphore, #tpu.memory_space<semaphore_mem>>
      %dma_start3A_50 = arith.constant 0 : i32
      %dma_start3A_51 = arith.constant 0 : i32
      %dma_start3A_52 = tpu.memref_slice %arg3[%add3A, %dma_start3A_50, %dma_start3A_51] : memref<32x80x128xi32, #tpu.memory_space<hbm>> -> memref<1x80x128xi32, #tpu.memory_space<hbm>>
      %dma_start3A_53 = tpu.memref_squeeze %dma_start3A_52 : memref<1x80x128xi32, #tpu.memory_space<hbm>> -> memref<80x128xi32, #tpu.memory_space<hbm>>
      %dma_start3A_54 = arith.constant 0 : i32
      %dma_start3A_55 = arith.constant 0 : i32
      %dma_start3A_56 = tpu.memref_slice %arg3[%add3A, %dma_start3A_54, %dma_start3A_55] : memref<32x80x128xi32, #tpu.memory_space<hbm>> -> memref<1x80x128xi32, #tpu.memory_space<hbm>>
      %dma_start3A_57 = tpu.memref_squeeze %dma_start3A_56 : memref<1x80x128xi32, #tpu.memory_space<hbm>> -> memref<80x128xi32, #tpu.memory_space<hbm>>
      tpu.enqueue_dma source(%dma_start3A_57 : memref<80x128xi32, #tpu.memory_space<hbm>>) target(%arg7 : memref<80x128xi32, #tpu.memory_space<vmem>>) target_semaphore(%run_scoped3A : memref<!tpu.dma_semaphore, #tpu.memory_space<semaphore_mem>>)
      %dma_wait3A_58 = arith.constant 0 : i32
      %dma_wait3A_59 = arith.constant 0 : i32
      %dma_wait3A_60 = tpu.memref_slice %arg3[%add3A, %dma_wait3A_58, %dma_wait3A_59] : memref<32x80x128xi32, #tpu.memory_space<hbm>> -> memref<1x80x128xi32, #tpu.memory_space<hbm>>
      %dma_wait3A_61 = tpu.memref_squeeze %dma_wait3A_60 : memref<1x80x128xi32, #tpu.memory_space<hbm>> -> memref<80x128xi32, #tpu.memory_space<hbm>>
      %dma_wait3A_62 = arith.constant 0 : i32
      %dma_wait3A_63 = arith.constant 0 : i32
      %dma_wait3A_64 = tpu.memref_slice %arg3[%add3A, %dma_wait3A_62, %dma_wait3A_63] : memref<32x80x128xi32, #tpu.memory_space<hbm>> -> memref<1x80x128xi32, #tpu.memory_space<hbm>>
      %dma_wait3A_65 = tpu.memref_squeeze %dma_wait3A_64 : memref<1x80x128xi32, #tpu.memory_space<hbm>> -> memref<80x128xi32, #tpu.memory_space<hbm>>
      tpu.wait_dma2 semaphore(%run_scoped3A : memref<!tpu.dma_semaphore, #tpu.memory_space<semaphore_mem>>) src(%dma_wait3A_65 : memref<80x128xi32, #tpu.memory_space<hbm>>) dst(%arg7 : memref<80x128xi32, #tpu.memory_space<vmem>>)
      tpu.yield
    }) : () -> ()
    %mul3A_5 = arith.constant 313 : i32
    %mul3A_6 = arith.muli %arg1, %mul3A_5 : i32
    %add3A_7 = arith.constant 0 : i32
    %add3A_8 = arith.addi %mul3A_6, %add3A_7 : i32
    "tpu.region"() ({
      %run_scoped3A = tpu.sem_alloc : memref<!tpu.dma_semaphore, #tpu.memory_space<semaphore_mem>>
      %dma_start3A_50 = arith.constant 0 : i32
      %dma_start3A_51 = arith.constant 0 : i32
      %dma_start3A_52 = tpu.memref_slice %arg8[%dma_start3A_50, %dma_start3A_51] : memref<128x128xf32, #tpu.memory_space<vmem>> -> memref<128x128xf32, #tpu.memory_space<vmem>>
      %dma_start3A_53 = arith.constant 0 : i32
      %dma_start3A_54 = tpu.memref_slice %arg14[%add3A_8, %dma_start3A_53] : memref<5008x128xf32, #tpu.memory_space<vmem_shared>> -> memref<128x128xf32, #tpu.memory_space<vmem_shared>>
      %dma_start3A_55 = arith.constant 0 : i32
      %dma_start3A_56 = tpu.memref_slice %arg14[%add3A_8, %dma_start3A_55] : memref<5008x128xf32, #tpu.memory_space<vmem_shared>> -> memref<128x128xf32, #tpu.memory_space<vmem_shared>>
      %dma_start3A_57 = arith.constant 0 : i32
      %dma_start3A_58 = arith.constant 0 : i32
      %dma_start3A_59 = tpu.memref_slice %arg8[%dma_start3A_57, %dma_start3A_58] : memref<128x128xf32, #tpu.memory_space<vmem>> -> memref<128x128xf32, #tpu.memory_space<vmem>>
      tpu.enqueue_dma source(%dma_start3A_59 : memref<128x128xf32, #tpu.memory_space<vmem>>) target(%dma_start3A_56 : memref<128x128xf32, #tpu.memory_space<vmem_shared>>) target_semaphore(%run_scoped3A : memref<!tpu.dma_semaphore, #tpu.memory_space<semaphore_mem>>)
      %dma_wait3A_60 = arith.constant 0 : i32
      %dma_wait3A_61 = arith.constant 0 : i32
      %dma_wait3A_62 = tpu.memref_slice %arg8[%dma_wait3A_60, %dma_wait3A_61] : memref<128x128xf32, #tpu.memory_space<vmem>> -> memref<128x128xf32, #tpu.memory_space<vmem>>
      %dma_wait3A_63 = arith.constant 0 : i32
      %dma_wait3A_64 = tpu.memref_slice %arg14[%add3A_8, %dma_wait3A_63] : memref<5008x128xf32, #tpu.memory_space<vmem_shared>> -> memref<128x128xf32, #tpu.memory_space<vmem_shared>>
      %dma_wait3A_65 = arith.constant 0 : i32
      %dma_wait3A_66 = tpu.memref_slice %arg14[%add3A_8, %dma_wait3A_65] : memref<5008x128xf32, #tpu.memory_space<vmem_shared>> -> memref<128x128xf32, #tpu.memory_space<vmem_shared>>
      %dma_wait3A_67 = arith.constant 0 : i32
      %dma_wait3A_68 = arith.constant 0 : i32
      %dma_wait3A_69 = tpu.memref_slice %arg8[%dma_wait3A_67, %dma_wait3A_68] : memref<128x128xf32, #tpu.memory_space<vmem>> -> memref<128x128xf32, #tpu.memory_space<vmem>>
      tpu.wait_dma2 semaphore(%run_scoped3A : memref<!tpu.dma_semaphore, #tpu.memory_space<semaphore_mem>>) src(%dma_wait3A_69 : memref<128x128xf32, #tpu.memory_space<vmem>>) dst(%dma_wait3A_66 : memref<128x128xf32, #tpu.memory_space<vmem_shared>>)
      tpu.yield
    }) : () -> ()
    %add3A_9 = arith.constant 128 : i32
    %add3A_10 = arith.addi %mul3A_6, %add3A_9 : i32
    "tpu.region"() ({
      %run_scoped3A = tpu.sem_alloc : memref<!tpu.dma_semaphore, #tpu.memory_space<semaphore_mem>>
      %dma_start3A_50 = arith.constant 0 : i32
      %dma_start3A_51 = arith.constant 0 : i32
      %dma_start3A_52 = tpu.memref_slice %arg8[%dma_start3A_50, %dma_start3A_51] : memref<128x128xf32, #tpu.memory_space<vmem>> -> memref<128x128xf32, #tpu.memory_space<vmem>>
      %dma_start3A_53 = arith.constant 0 : i32
      %dma_start3A_54 = tpu.memref_slice %arg14[%add3A_10, %dma_start3A_53] : memref<5008x128xf32, #tpu.memory_space<vmem_shared>> -> memref<128x128xf32, #tpu.memory_space<vmem_shared>>
      %dma_start3A_55 = arith.constant 0 : i32
      %dma_start3A_56 = tpu.memref_slice %arg14[%add3A_10, %dma_start3A_55] : memref<5008x128xf32, #tpu.memory_space<vmem_shared>> -> memref<128x128xf32, #tpu.memory_space<vmem_shared>>
      %dma_start3A_57 = arith.constant 0 : i32
      %dma_start3A_58 = arith.constant 0 : i32
      %dma_start3A_59 = tpu.memref_slice %arg8[%dma_start3A_57, %dma_start3A_58] : memref<128x128xf32, #tpu.memory_space<vmem>> -> memref<128x128xf32, #tpu.memory_space<vmem>>
      tpu.enqueue_dma source(%dma_start3A_59 : memref<128x128xf32, #tpu.memory_space<vmem>>) target(%dma_start3A_56 : memref<128x128xf32, #tpu.memory_space<vmem_shared>>) target_semaphore(%run_scoped3A : memref<!tpu.dma_semaphore, #tpu.memory_space<semaphore_mem>>)
      %dma_wait3A_60 = arith.constant 0 : i32
      %dma_wait3A_61 = arith.constant 0 : i32
      %dma_wait3A_62 = tpu.memref_slice %arg8[%dma_wait3A_60, %dma_wait3A_61] : memref<128x128xf32, #tpu.memory_space<vmem>> -> memref<128x128xf32, #tpu.memory_space<vmem>>
      %dma_wait3A_63 = arith.constant 0 : i32
      %dma_wait3A_64 = tpu.memref_slice %arg14[%add3A_10, %dma_wait3A_63] : memref<5008x128xf32, #tpu.memory_space<vmem_shared>> -> memref<128x128xf32, #tpu.memory_space<vmem_shared>>
      %dma_wait3A_65 = arith.constant 0 : i32
      %dma_wait3A_66 = tpu.memref_slice %arg14[%add3A_10, %dma_wait3A_65] : memref<5008x128xf32, #tpu.memory_space<vmem_shared>> -> memref<128x128xf32, #tpu.memory_space<vmem_shared>>
      %dma_wait3A_67 = arith.constant 0 : i32
      %dma_wait3A_68 = arith.constant 0 : i32
      %dma_wait3A_69 = tpu.memref_slice %arg8[%dma_wait3A_67, %dma_wait3A_68] : memref<128x128xf32, #tpu.memory_space<vmem>> -> memref<128x128xf32, #tpu.memory_space<vmem>>
      tpu.wait_dma2 semaphore(%run_scoped3A : memref<!tpu.dma_semaphore, #tpu.memory_space<semaphore_mem>>) src(%dma_wait3A_69 : memref<128x128xf32, #tpu.memory_space<vmem>>) dst(%dma_wait3A_66 : memref<128x128xf32, #tpu.memory_space<vmem_shared>>)
      tpu.yield
    }) : () -> ()
    %add3A_11 = arith.constant 256 : i32
    %add3A_12 = arith.addi %mul3A_6, %add3A_11 : i32
    "tpu.region"() ({
      %run_scoped3A = tpu.sem_alloc : memref<!tpu.dma_semaphore, #tpu.memory_space<semaphore_mem>>
      %dma_start3A_50 = arith.constant 0 : i32
      %dma_start3A_51 = arith.constant 0 : i32
      %dma_start3A_52 = tpu.memref_slice %arg8[%dma_start3A_50, %dma_start3A_51] : memref<128x128xf32, #tpu.memory_space<vmem>> -> memref<57x128xf32, #tpu.memory_space<vmem>>
      %dma_start3A_53 = arith.constant 0 : i32
      %dma_start3A_54 = tpu.memref_slice %arg14[%add3A_12, %dma_start3A_53] : memref<5008x128xf32, #tpu.memory_space<vmem_shared>> -> memref<57x128xf32, #tpu.memory_space<vmem_shared>>
      %dma_start3A_55 = arith.constant 0 : i32
      %dma_start3A_56 = tpu.memref_slice %arg14[%add3A_12, %dma_start3A_55] : memref<5008x128xf32, #tpu.memory_space<vmem_shared>> -> memref<57x128xf32, #tpu.memory_space<vmem_shared>>
      %dma_start3A_57 = arith.constant 0 : i32
      %dma_start3A_58 = arith.constant 0 : i32
      %dma_start3A_59 = tpu.memref_slice %arg8[%dma_start3A_57, %dma_start3A_58] : memref<128x128xf32, #tpu.memory_space<vmem>> -> memref<57x128xf32, #tpu.memory_space<vmem>>
      tpu.enqueue_dma source(%dma_start3A_59 : memref<57x128xf32, #tpu.memory_space<vmem>>) target(%dma_start3A_56 : memref<57x128xf32, #tpu.memory_space<vmem_shared>>) target_semaphore(%run_scoped3A : memref<!tpu.dma_semaphore, #tpu.memory_space<semaphore_mem>>)
      %dma_wait3A_60 = arith.constant 0 : i32
      %dma_wait3A_61 = arith.constant 0 : i32
      %dma_wait3A_62 = tpu.memref_slice %arg8[%dma_wait3A_60, %dma_wait3A_61] : memref<128x128xf32, #tpu.memory_space<vmem>> -> memref<57x128xf32, #tpu.memory_space<vmem>>
      %dma_wait3A_63 = arith.constant 0 : i32
      %dma_wait3A_64 = tpu.memref_slice %arg14[%add3A_12, %dma_wait3A_63] : memref<5008x128xf32, #tpu.memory_space<vmem_shared>> -> memref<57x128xf32, #tpu.memory_space<vmem_shared>>
      %dma_wait3A_65 = arith.constant 0 : i32
      %dma_wait3A_66 = tpu.memref_slice %arg14[%add3A_12, %dma_wait3A_65] : memref<5008x128xf32, #tpu.memory_space<vmem_shared>> -> memref<57x128xf32, #tpu.memory_space<vmem_shared>>
      %dma_wait3A_67 = arith.constant 0 : i32
      %dma_wait3A_68 = arith.constant 0 : i32
      %dma_wait3A_69 = tpu.memref_slice %arg8[%dma_wait3A_67, %dma_wait3A_68] : memref<128x128xf32, #tpu.memory_space<vmem>> -> memref<57x128xf32, #tpu.memory_space<vmem>>
      tpu.wait_dma2 semaphore(%run_scoped3A : memref<!tpu.dma_semaphore, #tpu.memory_space<semaphore_mem>>) src(%dma_wait3A_69 : memref<57x128xf32, #tpu.memory_space<vmem>>) dst(%dma_wait3A_66 : memref<57x128xf32, #tpu.memory_space<vmem_shared>>)
      tpu.yield
    }) : () -> ()
    %dma_start3A = arith.constant 0 : i32
    %dma_start3A_13 = arith.constant 0 : i32
    %dma_start3A_14 = tpu.memref_slice %arg6[%dma_start3A, %dma_start3A_13] : memref<80x128xi32, #tpu.memory_space<vmem>> -> memref<1x128xi32, #tpu.memory_space<vmem>>
    %dma_start3A_15 = tpu.memref_squeeze %dma_start3A_14 : memref<1x128xi32, #tpu.memory_space<vmem>> -> memref<128xi32, #tpu.memory_space<vmem>>
    %dma_start3A_16 = arith.constant 0 : i32
    %dma_start3A_17 = arith.constant 0 : i32
    %dma_start3A_18 = tpu.memref_slice %arg4[%dma_start3A_16, %dma_start3A_17] : memref<5008x128xf32, #tpu.memory_space<hbm>> -> memref<5008x128xf32, #tpu.memory_space<hbm>>
    tpu.enqueue_indirect_dma source(%dma_start3A_18 : memref<5008x128xf32, #tpu.memory_space<hbm>>) target(%arg8 : memref<128x128xf32, #tpu.memory_space<vmem>>) offsets(%dma_start3A_15 : memref<128xi32, #tpu.memory_space<vmem>>) semaphore(%arg12 : memref<!tpu.dma_semaphore, #tpu.memory_space<semaphore_mem>>)
    %dma_start3A_19 = arith.constant 1 : i32
    %dma_start3A_20 = arith.constant 0 : i32
    %dma_start3A_21 = tpu.memref_slice %arg6[%dma_start3A_19, %dma_start3A_20] : memref<80x128xi32, #tpu.memory_space<vmem>> -> memref<1x128xi32, #tpu.memory_space<vmem>>
    %dma_start3A_22 = tpu.memref_squeeze %dma_start3A_21 : memref<1x128xi32, #tpu.memory_space<vmem>> -> memref<128xi32, #tpu.memory_space<vmem>>
    %dma_start3A_23 = arith.constant 0 : i32
    %dma_start3A_24 = arith.constant 0 : i32
    %dma_start3A_25 = tpu.memref_slice %arg4[%dma_start3A_23, %dma_start3A_24] : memref<5008x128xf32, #tpu.memory_space<hbm>> -> memref<5008x128xf32, #tpu.memory_space<hbm>>
    tpu.enqueue_indirect_dma source(%dma_start3A_25 : memref<5008x128xf32, #tpu.memory_space<hbm>>) target(%arg9 : memref<128x128xf32, #tpu.memory_space<vmem>>) offsets(%dma_start3A_22 : memref<128xi32, #tpu.memory_space<vmem>>) semaphore(%arg12 : memref<!tpu.dma_semaphore, #tpu.memory_space<semaphore_mem>>)
    %barrier3A = arith.constant 0 : index
    tpu.barrier barrier_id(%barrier3A)
    %scan3A_26 = arith.constant 0 : i32
    %scan3A_27 = arith.constant 20 : i32
    %scan3A_28 = arith.addi %scan3A_26, %scan3A_27 : i32
    %scan3A_29 = arith.constant 1 : i32
    scf.for %scan3A_50 = %scan3A_26 to %scan3A_28 step %scan3A_29  : i32 {
      %mul3A_51 = arith.constant 4 : i32
      %mul3A_52 = arith.muli %scan3A_50, %mul3A_51 : i32
      %add3A_53 = arith.constant 0 : i32
      %add3A_54 = arith.addi %add3A_53, %mul3A_52 : i32
      %add3A_55 = arith.constant 0 : i32
      %add3A_56 = arith.addi %add3A_54, %add3A_55 : i32
      %dma_wait3A_57 = arith.constant 0 : i32
      %dma_wait3A_58 = arith.constant 0 : i32
      %dma_wait3A_59 = tpu.memref_slice %arg4[%dma_wait3A_57, %dma_wait3A_58] : memref<5008x128xf32, #tpu.memory_space<hbm>> -> memref<128x128xf32, #tpu.memory_space<hbm>>
      %dma_wait3A_60 = arith.constant 0 : i32
      %dma_wait3A_61 = arith.constant 0 : i32
      %dma_wait3A_62 = tpu.memref_slice %arg4[%dma_wait3A_60, %dma_wait3A_61] : memref<5008x128xf32, #tpu.memory_space<hbm>> -> memref<128x128xf32, #tpu.memory_space<hbm>>
      tpu.wait_dma2 semaphore(%arg12 : memref<!tpu.dma_semaphore, #tpu.memory_space<semaphore_mem>>) src(%dma_wait3A_62 : memref<128x128xf32, #tpu.memory_space<hbm>>) dst(%arg8 : memref<128x128xf32, #tpu.memory_space<vmem>>)
      %dma_start3A_63 = arith.constant 0 : i32
      %dma_start3A_64 = tpu.memref_slice %arg7[%add3A_56, %dma_start3A_63] : memref<80x128xi32, #tpu.memory_space<vmem>> -> memref<1x128xi32, #tpu.memory_space<vmem>>
      %dma_start3A_65 = tpu.memref_squeeze %dma_start3A_64 : memref<1x128xi32, #tpu.memory_space<vmem>> -> memref<128xi32, #tpu.memory_space<vmem>>
      %dma_start3A_66 = arith.constant 0 : i32
      %dma_start3A_67 = arith.constant 0 : i32
      %dma_start3A_68 = tpu.memref_slice %arg14[%dma_start3A_66, %dma_start3A_67] : memref<5008x128xf32, #tpu.memory_space<vmem_shared>> -> memref<5008x128xf32, #tpu.memory_space<vmem_shared>>
      tpu.enqueue_indirect_dma source(%arg8 : memref<128x128xf32, #tpu.memory_space<vmem>>) target(%dma_start3A_68 : memref<5008x128xf32, #tpu.memory_space<vmem_shared>>) offsets(%dma_start3A_65 : memref<128xi32, #tpu.memory_space<vmem>>) semaphore(%arg13 : memref<!tpu.dma_semaphore, #tpu.memory_space<semaphore_mem>>) {add = true}
      %ge3A = arith.constant 2 : i32
      %ge3A_69 = arith.cmpi sge, %add3A_56, %ge3A : i32
      %convert_element_type3A = arith.extui %ge3A_69 : i1 to i32
      %cond3A = arith.constant 0 : i32
      %cond3A_70 = arith.cmpi ne, %convert_element_type3A, %cond3A : i32
      scf.if %cond3A_70 {
        %dma_wait3A_155 = arith.constant 0 : i32
        %dma_wait3A_156 = arith.constant 0 : i32
        %dma_wait3A_157 = tpu.memref_slice %arg4[%dma_wait3A_155, %dma_wait3A_156] : memref<5008x128xf32, #tpu.memory_space<hbm>> -> memref<128x128xf32, #tpu.memory_space<hbm>>
        %dma_wait3A_158 = arith.constant 0 : i32
        %dma_wait3A_159 = arith.constant 0 : i32
        %dma_wait3A_160 = tpu.memref_slice %arg4[%dma_wait3A_158, %dma_wait3A_159] : memref<5008x128xf32, #tpu.memory_space<hbm>> -> memref<128x128xf32, #tpu.memory_space<hbm>>
        tpu.wait_dma2 semaphore(%arg13 : memref<!tpu.dma_semaphore, #tpu.memory_space<semaphore_mem>>) src(%dma_wait3A_160 : memref<128x128xf32, #tpu.memory_space<hbm>>) dst(%arg8 : memref<128x128xf32, #tpu.memory_space<vmem>>)
      } else {
      }
      %add3A_71 = arith.constant 2 : i32
      %add3A_72 = arith.addi %add3A_56, %add3A_71 : i32
      %lt3A = arith.constant 80 : i32
      %lt3A_73 = arith.cmpi slt, %add3A_72, %lt3A : i32
      %convert_element_type3A_74 = arith.extui %lt3A_73 : i1 to i32
      %cond3A_75 = arith.constant 0 : i32
      %cond3A_76 = arith.cmpi ne, %convert_element_type3A_74, %cond3A_75 : i32
      scf.if %cond3A_76 {
        %add3A_155 = arith.constant 2 : i32
        %add3A_156 = arith.addi %add3A_56, %add3A_155 : i32
        %dma_start3A_157 = arith.constant 0 : i32
        %dma_start3A_158 = tpu.memref_slice %arg6[%add3A_156, %dma_start3A_157] : memref<80x128xi32, #tpu.memory_space<vmem>> -> memref<1x128xi32, #tpu.memory_space<vmem>>
        %dma_start3A_159 = tpu.memref_squeeze %dma_start3A_158 : memref<1x128xi32, #tpu.memory_space<vmem>> -> memref<128xi32, #tpu.memory_space<vmem>>
        %dma_start3A_160 = arith.constant 0 : i32
        %dma_start3A_161 = arith.constant 0 : i32
        %dma_start3A_162 = tpu.memref_slice %arg4[%dma_start3A_160, %dma_start3A_161] : memref<5008x128xf32, #tpu.memory_space<hbm>> -> memref<5008x128xf32, #tpu.memory_space<hbm>>
        tpu.enqueue_indirect_dma source(%dma_start3A_162 : memref<5008x128xf32, #tpu.memory_space<hbm>>) target(%arg10 : memref<128x128xf32, #tpu.memory_space<vmem>>) offsets(%dma_start3A_159 : memref<128xi32, #tpu.memory_space<vmem>>) semaphore(%arg12 : memref<!tpu.dma_semaphore, #tpu.memory_space<semaphore_mem>>)
      } else {
      }
      %add3A_77 = arith.constant 1 : i32
      %add3A_78 = arith.addi %add3A_54, %add3A_77 : i32
      %dma_wait3A_79 = arith.constant 0 : i32
      %dma_wait3A_80 = arith.constant 0 : i32
      %dma_wait3A_81 = tpu.memref_slice %arg4[%dma_wait3A_79, %dma_wait3A_80] : memref<5008x128xf32, #tpu.memory_space<hbm>> -> memref<128x128xf32, #tpu.memory_space<hbm>>
      %dma_wait3A_82 = arith.constant 0 : i32
      %dma_wait3A_83 = arith.constant 0 : i32
      %dma_wait3A_84 = tpu.memref_slice %arg4[%dma_wait3A_82, %dma_wait3A_83] : memref<5008x128xf32, #tpu.memory_space<hbm>> -> memref<128x128xf32, #tpu.memory_space<hbm>>
      tpu.wait_dma2 semaphore(%arg12 : memref<!tpu.dma_semaphore, #tpu.memory_space<semaphore_mem>>) src(%dma_wait3A_84 : memref<128x128xf32, #tpu.memory_space<hbm>>) dst(%arg9 : memref<128x128xf32, #tpu.memory_space<vmem>>)
      %dma_start3A_85 = arith.constant 0 : i32
      %dma_start3A_86 = tpu.memref_slice %arg7[%add3A_78, %dma_start3A_85] : memref<80x128xi32, #tpu.memory_space<vmem>> -> memref<1x128xi32, #tpu.memory_space<vmem>>
      %dma_start3A_87 = tpu.memref_squeeze %dma_start3A_86 : memref<1x128xi32, #tpu.memory_space<vmem>> -> memref<128xi32, #tpu.memory_space<vmem>>
      %dma_start3A_88 = arith.constant 0 : i32
      %dma_start3A_89 = arith.constant 0 : i32
      %dma_start3A_90 = tpu.memref_slice %arg14[%dma_start3A_88, %dma_start3A_89] : memref<5008x128xf32, #tpu.memory_space<vmem_shared>> -> memref<5008x128xf32, #tpu.memory_space<vmem_shared>>
      tpu.enqueue_indirect_dma source(%arg9 : memref<128x128xf32, #tpu.memory_space<vmem>>) target(%dma_start3A_90 : memref<5008x128xf32, #tpu.memory_space<vmem_shared>>) offsets(%dma_start3A_87 : memref<128xi32, #tpu.memory_space<vmem>>) semaphore(%arg13 : memref<!tpu.dma_semaphore, #tpu.memory_space<semaphore_mem>>) {add = true}
      %ge3A_91 = arith.constant 2 : i32
      %ge3A_92 = arith.cmpi sge, %add3A_78, %ge3A_91 : i32
      %convert_element_type3A_93 = arith.extui %ge3A_92 : i1 to i32
      %cond3A_94 = arith.constant 0 : i32
      %cond3A_95 = arith.cmpi ne, %convert_element_type3A_93, %cond3A_94 : i32
      scf.if %cond3A_95 {
        %dma_wait3A_155 = arith.constant 0 : i32
        %dma_wait3A_156 = arith.constant 0 : i32
        %dma_wait3A_157 = tpu.memref_slice %arg4[%dma_wait3A_155, %dma_wait3A_156] : memref<5008x128xf32, #tpu.memory_space<hbm>> -> memref<128x128xf32, #tpu.memory_space<hbm>>
        %dma_wait3A_158 = arith.constant 0 : i32
        %dma_wait3A_159 = arith.constant 0 : i32
        %dma_wait3A_160 = tpu.memref_slice %arg4[%dma_wait3A_158, %dma_wait3A_159] : memref<5008x128xf32, #tpu.memory_space<hbm>> -> memref<128x128xf32, #tpu.memory_space<hbm>>
        tpu.wait_dma2 semaphore(%arg13 : memref<!tpu.dma_semaphore, #tpu.memory_space<semaphore_mem>>) src(%dma_wait3A_160 : memref<128x128xf32, #tpu.memory_space<hbm>>) dst(%arg9 : memref<128x128xf32, #tpu.memory_space<vmem>>)
      } else {
      }
      %add3A_96 = arith.constant 2 : i32
      %add3A_97 = arith.addi %add3A_78, %add3A_96 : i32
      %lt3A_98 = arith.constant 80 : i32
      %lt3A_99 = arith.cmpi slt, %add3A_97, %lt3A_98 : i32
      %convert_element_type3A_100 = arith.extui %lt3A_99 : i1 to i32
      %cond3A_101 = arith.constant 0 : i32
      %cond3A_102 = arith.cmpi ne, %convert_element_type3A_100, %cond3A_101 : i32
      scf.if %cond3A_102 {
        %add3A_155 = arith.constant 2 : i32
        %add3A_156 = arith.addi %add3A_78, %add3A_155 : i32
        %dma_start3A_157 = arith.constant 0 : i32
        %dma_start3A_158 = tpu.memref_slice %arg6[%add3A_156, %dma_start3A_157] : memref<80x128xi32, #tpu.memory_space<vmem>> -> memref<1x128xi32, #tpu.memory_space<vmem>>
        %dma_start3A_159 = tpu.memref_squeeze %dma_start3A_158 : memref<1x128xi32, #tpu.memory_space<vmem>> -> memref<128xi32, #tpu.memory_space<vmem>>
        %dma_start3A_160 = arith.constant 0 : i32
        %dma_start3A_161 = arith.constant 0 : i32
        %dma_start3A_162 = tpu.memref_slice %arg4[%dma_start3A_160, %dma_start3A_161] : memref<5008x128xf32, #tpu.memory_space<hbm>> -> memref<5008x128xf32, #tpu.memory_space<hbm>>
        tpu.enqueue_indirect_dma source(%dma_start3A_162 : memref<5008x128xf32, #tpu.memory_space<hbm>>) target(%arg11 : memref<128x128xf32, #tpu.memory_space<vmem>>) offsets(%dma_start3A_159 : memref<128xi32, #tpu.memory_space<vmem>>) semaphore(%arg12 : memref<!tpu.dma_semaphore, #tpu.memory_space<semaphore_mem>>)
      } else {
      }
      %add3A_103 = arith.constant 2 : i32
      %add3A_104 = arith.addi %add3A_54, %add3A_103 : i32
      %dma_wait3A_105 = arith.constant 0 : i32
      %dma_wait3A_106 = arith.constant 0 : i32
      %dma_wait3A_107 = tpu.memref_slice %arg4[%dma_wait3A_105, %dma_wait3A_106] : memref<5008x128xf32, #tpu.memory_space<hbm>> -> memref<128x128xf32, #tpu.memory_space<hbm>>
      %dma_wait3A_108 = arith.constant 0 : i32
      %dma_wait3A_109 = arith.constant 0 : i32
      %dma_wait3A_110 = tpu.memref_slice %arg4[%dma_wait3A_108, %dma_wait3A_109] : memref<5008x128xf32, #tpu.memory_space<hbm>> -> memref<128x128xf32, #tpu.memory_space<hbm>>
      tpu.wait_dma2 semaphore(%arg12 : memref<!tpu.dma_semaphore, #tpu.memory_space<semaphore_mem>>) src(%dma_wait3A_110 : memref<128x128xf32, #tpu.memory_space<hbm>>) dst(%arg10 : memref<128x128xf32, #tpu.memory_space<vmem>>)
      %dma_start3A_111 = arith.constant 0 : i32
      %dma_start3A_112 = tpu.memref_slice %arg7[%add3A_104, %dma_start3A_111] : memref<80x128xi32, #tpu.memory_space<vmem>> -> memref<1x128xi32, #tpu.memory_space<vmem>>
      %dma_start3A_113 = tpu.memref_squeeze %dma_start3A_112 : memref<1x128xi32, #tpu.memory_space<vmem>> -> memref<128xi32, #tpu.memory_space<vmem>>
      %dma_start3A_114 = arith.constant 0 : i32
      %dma_start3A_115 = arith.constant 0 : i32
      %dma_start3A_116 = tpu.memref_slice %arg14[%dma_start3A_114, %dma_start3A_115] : memref<5008x128xf32, #tpu.memory_space<vmem_shared>> -> memref<5008x128xf32, #tpu.memory_space<vmem_shared>>
      tpu.enqueue_indirect_dma source(%arg10 : memref<128x128xf32, #tpu.memory_space<vmem>>) target(%dma_start3A_116 : memref<5008x128xf32, #tpu.memory_space<vmem_shared>>) offsets(%dma_start3A_113 : memref<128xi32, #tpu.memory_space<vmem>>) semaphore(%arg13 : memref<!tpu.dma_semaphore, #tpu.memory_space<semaphore_mem>>) {add = true}
      %ge3A_117 = arith.constant 2 : i32
      %ge3A_118 = arith.cmpi sge, %add3A_104, %ge3A_117 : i32
      %convert_element_type3A_119 = arith.extui %ge3A_118 : i1 to i32
      %cond3A_120 = arith.constant 0 : i32
      %cond3A_121 = arith.cmpi ne, %convert_element_type3A_119, %cond3A_120 : i32
      scf.if %cond3A_121 {
        %dma_wait3A_155 = arith.constant 0 : i32
        %dma_wait3A_156 = arith.constant 0 : i32
        %dma_wait3A_157 = tpu.memref_slice %arg4[%dma_wait3A_155, %dma_wait3A_156] : memref<5008x128xf32, #tpu.memory_space<hbm>> -> memref<128x128xf32, #tpu.memory_space<hbm>>
        %dma_wait3A_158 = arith.constant 0 : i32
        %dma_wait3A_159 = arith.constant 0 : i32
        %dma_wait3A_160 = tpu.memref_slice %arg4[%dma_wait3A_158, %dma_wait3A_159] : memref<5008x128xf32, #tpu.memory_space<hbm>> -> memref<128x128xf32, #tpu.memory_space<hbm>>
        tpu.wait_dma2 semaphore(%arg13 : memref<!tpu.dma_semaphore, #tpu.memory_space<semaphore_mem>>) src(%dma_wait3A_160 : memref<128x128xf32, #tpu.memory_space<hbm>>) dst(%arg10 : memref<128x128xf32, #tpu.memory_space<vmem>>)
      } else {
      }
      %add3A_122 = arith.constant 2 : i32
      %add3A_123 = arith.addi %add3A_104, %add3A_122 : i32
      %lt3A_124 = arith.constant 80 : i32
      %lt3A_125 = arith.cmpi slt, %add3A_123, %lt3A_124 : i32
      %convert_element_type3A_126 = arith.extui %lt3A_125 : i1 to i32
      %cond3A_127 = arith.constant 0 : i32
      %cond3A_128 = arith.cmpi ne, %convert_element_type3A_126, %cond3A_127 : i32
      scf.if %cond3A_128 {
        %add3A_155 = arith.constant 2 : i32
        %add3A_156 = arith.addi %add3A_104, %add3A_155 : i32
        %dma_start3A_157 = arith.constant 0 : i32
        %dma_start3A_158 = tpu.memref_slice %arg6[%add3A_156, %dma_start3A_157] : memref<80x128xi32, #tpu.memory_space<vmem>> -> memref<1x128xi32, #tpu.memory_space<vmem>>
        %dma_start3A_159 = tpu.memref_squeeze %dma_start3A_158 : memref<1x128xi32, #tpu.memory_space<vmem>> -> memref<128xi32, #tpu.memory_space<vmem>>
        %dma_start3A_160 = arith.constant 0 : i32
        %dma_start3A_161 = arith.constant 0 : i32
        %dma_start3A_162 = tpu.memref_slice %arg4[%dma_start3A_160, %dma_start3A_161] : memref<5008x128xf32, #tpu.memory_space<hbm>> -> memref<5008x128xf32, #tpu.memory_space<hbm>>
        tpu.enqueue_indirect_dma source(%dma_start3A_162 : memref<5008x128xf32, #tpu.memory_space<hbm>>) target(%arg8 : memref<128x128xf32, #tpu.memory_space<vmem>>) offsets(%dma_start3A_159 : memref<128xi32, #tpu.memory_space<vmem>>) semaphore(%arg12 : memref<!tpu.dma_semaphore, #tpu.memory_space<semaphore_mem>>)
      } else {
      }
      %add3A_129 = arith.constant 3 : i32
      %add3A_130 = arith.addi %add3A_54, %add3A_129 : i32
      %dma_wait3A_131 = arith.constant 0 : i32
      %dma_wait3A_132 = arith.constant 0 : i32
      %dma_wait3A_133 = tpu.memref_slice %arg4[%dma_wait3A_131, %dma_wait3A_132] : memref<5008x128xf32, #tpu.memory_space<hbm>> -> memref<128x128xf32, #tpu.memory_space<hbm>>
      %dma_wait3A_134 = arith.constant 0 : i32
      %dma_wait3A_135 = arith.constant 0 : i32
      %dma_wait3A_136 = tpu.memref_slice %arg4[%dma_wait3A_134, %dma_wait3A_135] : memref<5008x128xf32, #tpu.memory_space<hbm>> -> memref<128x128xf32, #tpu.memory_space<hbm>>
      tpu.wait_dma2 semaphore(%arg12 : memref<!tpu.dma_semaphore, #tpu.memory_space<semaphore_mem>>) src(%dma_wait3A_136 : memref<128x128xf32, #tpu.memory_space<hbm>>) dst(%arg11 : memref<128x128xf32, #tpu.memory_space<vmem>>)
      %dma_start3A_137 = arith.constant 0 : i32
      %dma_start3A_138 = tpu.memref_slice %arg7[%add3A_130, %dma_start3A_137] : memref<80x128xi32, #tpu.memory_space<vmem>> -> memref<1x128xi32, #tpu.memory_space<vmem>>
      %dma_start3A_139 = tpu.memref_squeeze %dma_start3A_138 : memref<1x128xi32, #tpu.memory_space<vmem>> -> memref<128xi32, #tpu.memory_space<vmem>>
      %dma_start3A_140 = arith.constant 0 : i32
      %dma_start3A_141 = arith.constant 0 : i32
      %dma_start3A_142 = tpu.memref_slice %arg14[%dma_start3A_140, %dma_start3A_141] : memref<5008x128xf32, #tpu.memory_space<vmem_shared>> -> memref<5008x128xf32, #tpu.memory_space<vmem_shared>>
      tpu.enqueue_indirect_dma source(%arg11 : memref<128x128xf32, #tpu.memory_space<vmem>>) target(%dma_start3A_142 : memref<5008x128xf32, #tpu.memory_space<vmem_shared>>) offsets(%dma_start3A_139 : memref<128xi32, #tpu.memory_space<vmem>>) semaphore(%arg13 : memref<!tpu.dma_semaphore, #tpu.memory_space<semaphore_mem>>) {add = true}
      %ge3A_143 = arith.constant 2 : i32
      %ge3A_144 = arith.cmpi sge, %add3A_130, %ge3A_143 : i32
      %convert_element_type3A_145 = arith.extui %ge3A_144 : i1 to i32
      %cond3A_146 = arith.constant 0 : i32
      %cond3A_147 = arith.cmpi ne, %convert_element_type3A_145, %cond3A_146 : i32
      scf.if %cond3A_147 {
        %dma_wait3A_155 = arith.constant 0 : i32
        %dma_wait3A_156 = arith.constant 0 : i32
        %dma_wait3A_157 = tpu.memref_slice %arg4[%dma_wait3A_155, %dma_wait3A_156] : memref<5008x128xf32, #tpu.memory_space<hbm>> -> memref<128x128xf32, #tpu.memory_space<hbm>>
        %dma_wait3A_158 = arith.constant 0 : i32
        %dma_wait3A_159 = arith.constant 0 : i32
        %dma_wait3A_160 = tpu.memref_slice %arg4[%dma_wait3A_158, %dma_wait3A_159] : memref<5008x128xf32, #tpu.memory_space<hbm>> -> memref<128x128xf32, #tpu.memory_space<hbm>>
        tpu.wait_dma2 semaphore(%arg13 : memref<!tpu.dma_semaphore, #tpu.memory_space<semaphore_mem>>) src(%dma_wait3A_160 : memref<128x128xf32, #tpu.memory_space<hbm>>) dst(%arg11 : memref<128x128xf32, #tpu.memory_space<vmem>>)
      } else {
      }
      %add3A_148 = arith.constant 2 : i32
      %add3A_149 = arith.addi %add3A_130, %add3A_148 : i32
      %lt3A_150 = arith.constant 80 : i32
      %lt3A_151 = arith.cmpi slt, %add3A_149, %lt3A_150 : i32
      %convert_element_type3A_152 = arith.extui %lt3A_151 : i1 to i32
      %cond3A_153 = arith.constant 0 : i32
      %cond3A_154 = arith.cmpi ne, %convert_element_type3A_152, %cond3A_153 : i32
      scf.if %cond3A_154 {
        %add3A_155 = arith.constant 2 : i32
        %add3A_156 = arith.addi %add3A_130, %add3A_155 : i32
        %dma_start3A_157 = arith.constant 0 : i32
        %dma_start3A_158 = tpu.memref_slice %arg6[%add3A_156, %dma_start3A_157] : memref<80x128xi32, #tpu.memory_space<vmem>> -> memref<1x128xi32, #tpu.memory_space<vmem>>
        %dma_start3A_159 = tpu.memref_squeeze %dma_start3A_158 : memref<1x128xi32, #tpu.memory_space<vmem>> -> memref<128xi32, #tpu.memory_space<vmem>>
        %dma_start3A_160 = arith.constant 0 : i32
        %dma_start3A_161 = arith.constant 0 : i32
        %dma_start3A_162 = tpu.memref_slice %arg4[%dma_start3A_160, %dma_start3A_161] : memref<5008x128xf32, #tpu.memory_space<hbm>> -> memref<5008x128xf32, #tpu.memory_space<hbm>>
        tpu.enqueue_indirect_dma source(%dma_start3A_162 : memref<5008x128xf32, #tpu.memory_space<hbm>>) target(%arg9 : memref<128x128xf32, #tpu.memory_space<vmem>>) offsets(%dma_start3A_159 : memref<128xi32, #tpu.memory_space<vmem>>) semaphore(%arg12 : memref<!tpu.dma_semaphore, #tpu.memory_space<semaphore_mem>>)
      } else {
      }
    }
    %scan3A_30 = arith.constant 20 : i32
    %dma_wait3A = arith.constant 0 : i32
    %dma_wait3A_31 = arith.constant 0 : i32
    %dma_wait3A_32 = tpu.memref_slice %arg4[%dma_wait3A, %dma_wait3A_31] : memref<5008x128xf32, #tpu.memory_space<hbm>> -> memref<128x128xf32, #tpu.memory_space<hbm>>
    %dma_wait3A_33 = arith.constant 0 : i32
    %dma_wait3A_34 = arith.constant 0 : i32
    %dma_wait3A_35 = tpu.memref_slice %arg4[%dma_wait3A_33, %dma_wait3A_34] : memref<5008x128xf32, #tpu.memory_space<hbm>> -> memref<128x128xf32, #tpu.memory_space<hbm>>
    tpu.wait_dma2 semaphore(%arg13 : memref<!tpu.dma_semaphore, #tpu.memory_space<semaphore_mem>>) src(%dma_wait3A_35 : memref<128x128xf32, #tpu.memory_space<hbm>>) dst(%arg8 : memref<128x128xf32, #tpu.memory_space<vmem>>)
    %dma_wait3A_36 = arith.constant 0 : i32
    %dma_wait3A_37 = arith.constant 0 : i32
    %dma_wait3A_38 = tpu.memref_slice %arg4[%dma_wait3A_36, %dma_wait3A_37] : memref<5008x128xf32, #tpu.memory_space<hbm>> -> memref<128x128xf32, #tpu.memory_space<hbm>>
    %dma_wait3A_39 = arith.constant 0 : i32
    %dma_wait3A_40 = arith.constant 0 : i32
    %dma_wait3A_41 = tpu.memref_slice %arg4[%dma_wait3A_39, %dma_wait3A_40] : memref<5008x128xf32, #tpu.memory_space<hbm>> -> memref<128x128xf32, #tpu.memory_space<hbm>>
    tpu.wait_dma2 semaphore(%arg13 : memref<!tpu.dma_semaphore, #tpu.memory_space<semaphore_mem>>) src(%dma_wait3A_41 : memref<128x128xf32, #tpu.memory_space<hbm>>) dst(%arg9 : memref<128x128xf32, #tpu.memory_space<vmem>>)
    %barrier3A_42 = arith.constant 0 : index
    tpu.barrier barrier_id(%barrier3A_42)
    %mul3A_43 = arith.constant 64 : i32
    %mul3A_44 = arith.muli %arg1, %mul3A_43 : i32
    "tpu.region"() ({
      %run_scoped3A = tpu.sem_alloc : memref<!tpu.dma_semaphore, #tpu.memory_space<semaphore_mem>>
      %dma_start3A_50 = arith.constant 0 : i32
      %dma_start3A_51 = arith.constant 0 : i32
      %dma_start3A_52 = tpu.memref_slice %arg8[%dma_start3A_50, %dma_start3A_51] : memref<128x128xf32, #tpu.memory_space<vmem>> -> memref<64x128xf32, #tpu.memory_space<vmem>>
      %dma_start3A_53 = arith.constant 0 : i32
      %dma_start3A_54 = tpu.memref_slice %arg14[%mul3A_44, %dma_start3A_53] : memref<5008x128xf32, #tpu.memory_space<vmem_shared>> -> memref<64x128xf32, #tpu.memory_space<vmem_shared>>
      %dma_start3A_55 = arith.constant 0 : i32
      %dma_start3A_56 = arith.constant 0 : i32
      %dma_start3A_57 = tpu.memref_slice %arg8[%dma_start3A_55, %dma_start3A_56] : memref<128x128xf32, #tpu.memory_space<vmem>> -> memref<64x128xf32, #tpu.memory_space<vmem>>
      %dma_start3A_58 = arith.constant 0 : i32
      %dma_start3A_59 = tpu.memref_slice %arg14[%mul3A_44, %dma_start3A_58] : memref<5008x128xf32, #tpu.memory_space<vmem_shared>> -> memref<64x128xf32, #tpu.memory_space<vmem_shared>>
      tpu.enqueue_dma source(%dma_start3A_59 : memref<64x128xf32, #tpu.memory_space<vmem_shared>>) target(%dma_start3A_57 : memref<64x128xf32, #tpu.memory_space<vmem>>) target_semaphore(%run_scoped3A : memref<!tpu.dma_semaphore, #tpu.memory_space<semaphore_mem>>)
      %dma_wait3A_60 = arith.constant 0 : i32
      %dma_wait3A_61 = arith.constant 0 : i32
      %dma_wait3A_62 = tpu.memref_slice %arg8[%dma_wait3A_60, %dma_wait3A_61] : memref<128x128xf32, #tpu.memory_space<vmem>> -> memref<64x128xf32, #tpu.memory_space<vmem>>
      %dma_wait3A_63 = arith.constant 0 : i32
      %dma_wait3A_64 = tpu.memref_slice %arg14[%mul3A_44, %dma_wait3A_63] : memref<5008x128xf32, #tpu.memory_space<vmem_shared>> -> memref<64x128xf32, #tpu.memory_space<vmem_shared>>
      %dma_wait3A_65 = arith.constant 0 : i32
      %dma_wait3A_66 = arith.constant 0 : i32
      %dma_wait3A_67 = tpu.memref_slice %arg8[%dma_wait3A_65, %dma_wait3A_66] : memref<128x128xf32, #tpu.memory_space<vmem>> -> memref<64x128xf32, #tpu.memory_space<vmem>>
      %dma_wait3A_68 = arith.constant 0 : i32
      %dma_wait3A_69 = tpu.memref_slice %arg14[%mul3A_44, %dma_wait3A_68] : memref<5008x128xf32, #tpu.memory_space<vmem_shared>> -> memref<64x128xf32, #tpu.memory_space<vmem_shared>>
      tpu.wait_dma2 semaphore(%run_scoped3A : memref<!tpu.dma_semaphore, #tpu.memory_space<semaphore_mem>>) src(%dma_wait3A_69 : memref<64x128xf32, #tpu.memory_space<vmem_shared>>) dst(%dma_wait3A_67 : memref<64x128xf32, #tpu.memory_space<vmem>>)
      tpu.yield
    }) : () -> ()
    %mul3A_45 = arith.constant 1024 : i32
    %mul3A_46 = arith.muli %arg0, %mul3A_45 : i32
    %mul3A_47 = arith.constant 64 : i32
    %mul3A_48 = arith.muli %arg1, %mul3A_47 : i32
    %add3A_49 = arith.addi %mul3A_46, %mul3A_48 : i32
    "tpu.region"() ({
      %run_scoped3A = tpu.sem_alloc : memref<!tpu.dma_semaphore, #tpu.memory_space<semaphore_mem>>
      %dma_start3A_50 = arith.constant 0 : i32
      %dma_start3A_51 = arith.constant 0 : i32
      %dma_start3A_52 = tpu.memref_slice %arg8[%dma_start3A_50, %dma_start3A_51] : memref<128x128xf32, #tpu.memory_space<vmem>> -> memref<64x128xf32, #tpu.memory_space<vmem>>
      %dma_start3A_53 = arith.constant 0 : i32
      %dma_start3A_54 = tpu.memref_slice %arg5[%add3A_49, %dma_start3A_53] : memref<2048x128xf32, #tpu.memory_space<hbm>> -> memref<64x128xf32, #tpu.memory_space<hbm>>
      %dma_start3A_55 = arith.constant 0 : i32
      %dma_start3A_56 = tpu.memref_slice %arg5[%add3A_49, %dma_start3A_55] : memref<2048x128xf32, #tpu.memory_space<hbm>> -> memref<64x128xf32, #tpu.memory_space<hbm>>
      %dma_start3A_57 = arith.constant 0 : i32
      %dma_start3A_58 = arith.constant 0 : i32
      %dma_start3A_59 = tpu.memref_slice %arg8[%dma_start3A_57, %dma_start3A_58] : memref<128x128xf32, #tpu.memory_space<vmem>> -> memref<64x128xf32, #tpu.memory_space<vmem>>
      tpu.enqueue_dma source(%dma_start3A_59 : memref<64x128xf32, #tpu.memory_space<vmem>>) target(%dma_start3A_56 : memref<64x128xf32, #tpu.memory_space<hbm>>) target_semaphore(%run_scoped3A : memref<!tpu.dma_semaphore, #tpu.memory_space<semaphore_mem>>)
      %dma_wait3A_60 = arith.constant 0 : i32
      %dma_wait3A_61 = arith.constant 0 : i32
      %dma_wait3A_62 = tpu.memref_slice %arg8[%dma_wait3A_60, %dma_wait3A_61] : memref<128x128xf32, #tpu.memory_space<vmem>> -> memref<64x128xf32, #tpu.memory_space<vmem>>
      %dma_wait3A_63 = arith.constant 0 : i32
      %dma_wait3A_64 = tpu.memref_slice %arg5[%add3A_49, %dma_wait3A_63] : memref<2048x128xf32, #tpu.memory_space<hbm>> -> memref<64x128xf32, #tpu.memory_space<hbm>>
      %dma_wait3A_65 = arith.constant 0 : i32
      %dma_wait3A_66 = tpu.memref_slice %arg5[%add3A_49, %dma_wait3A_65] : memref<2048x128xf32, #tpu.memory_space<hbm>> -> memref<64x128xf32, #tpu.memory_space<hbm>>
      %dma_wait3A_67 = arith.constant 0 : i32
      %dma_wait3A_68 = arith.constant 0 : i32
      %dma_wait3A_69 = tpu.memref_slice %arg8[%dma_wait3A_67, %dma_wait3A_68] : memref<128x128xf32, #tpu.memory_space<vmem>> -> memref<64x128xf32, #tpu.memory_space<vmem>>
      tpu.wait_dma2 semaphore(%run_scoped3A : memref<!tpu.dma_semaphore, #tpu.memory_space<semaphore_mem>>) src(%dma_wait3A_69 : memref<64x128xf32, #tpu.memory_space<vmem>>) dst(%dma_wait3A_66 : memref<64x128xf32, #tpu.memory_space<hbm>>)
      tpu.yield
    }) : () -> ()
    return
  }
}

module attributes {stable_mosaic.version = 14 : i64} {
  func.func @_prep_body(%arg0: memref<2x12032xf32, #tpu.memory_space<vmem>>, %arg1: memref<5008x128xf32, #tpu.memory_space<vmem>>, %arg2: memref<128x128xf32, #tpu.memory_space<vmem>>, %arg3: memref<5008x128xf32, #tpu.memory_space<vmem>>, %arg4: memref<12032xf32, #tpu.memory_space<vmem>>) attributes {dimension_semantics = [], scalar_prefetch = 0 : i64, scratch_operands = 0 : i64, tpu.core_type = #tpu.core_type<tc>} {
    %get3A = arith.constant 0 : index
    %get3A_0 = arith.constant 0 : index
    %get3A_1 = vector.load %arg0[%get3A, %get3A_0] : memref<2x12032xf32, #tpu.memory_space<vmem>>, vector<1x12032xf32>
    %get3A_2 = vector.shape_cast %get3A_1 : vector<1x12032xf32> to vector<12032xf32>
    %get3A_3 = arith.constant 1 : index
    %get3A_4 = arith.constant 0 : index
    %get3A_5 = vector.load %arg0[%get3A_3, %get3A_4] : memref<2x12032xf32, #tpu.memory_space<vmem>>, vector<1x12032xf32>
    %get3A_6 = vector.shape_cast %get3A_5 : vector<1x12032xf32> to vector<12032xf32>
    %add3A = arith.addf %get3A_2, %get3A_6 : vector<12032xf32>
    %gt3A = arith.constant 0.000000e+00 : f32
    %gt3A_7 = vector.broadcast %gt3A : f32 to vector<12032xf32>
    %gt3A_8 = arith.cmpf ogt, %add3A, %gt3A_7 : vector<12032xf32>
    %max3A = arith.constant 1.000000e+00 : f32
    %max3A_9 = vector.broadcast %max3A : f32 to vector<12032xf32>
    %max3A_10 = arith.maximumf %add3A, %max3A_9 : vector<12032xf32>
    %rsqrt3A = math.rsqrt %max3A_10 : vector<12032xf32>
    %jit3A = arith.constant 0.000000e+00 : f32
    %broadcast_in_dim3A = vector.broadcast %jit3A : f32 to vector<12032xf32>
    %select_n3A = arith.select %gt3A_8, %rsqrt3A, %broadcast_in_dim3A : vector<12032xi1>, vector<12032xf32>
    %swap3A = arith.constant 0 : index
    %swap3A_11 = vector.load %arg4[%swap3A] : memref<12032xf32, #tpu.memory_space<vmem>>, vector<12032xf32>
    tpu.vector_store %arg4[%swap3A], %select_n3A {strides = array<i32>} : memref<12032xf32, #tpu.memory_space<vmem>>, vector<12032xf32>,
    %get3A_12 = arith.constant 0 : index
    %get3A_13 = arith.constant 0 : index
    %get3A_14 = vector.load %arg1[%get3A_12, %get3A_13] : memref<5008x128xf32, #tpu.memory_space<vmem>>, vector<5008x128xf32>
    %get3A_15 = arith.constant 0 : index
    %get3A_16 = arith.constant 0 : index
    %get3A_17 = vector.load %arg2[%get3A_15, %get3A_16] : memref<128x128xf32, #tpu.memory_space<vmem>>, vector<128x128xf32>
    %dot_general3A = arith.constant dense<0.000000e+00> : vector<5008x128xf32>
    %dot_general3A_18 = tpu.matmul %get3A_14, %get3A_17, %dot_general3A {dimension_numbers = #tpu.dot_dimension_numbers<[1], [0], [0], [1], [0, 0, 1, 1], [], []>, transpose_lhs_hint = false} : vector<5008x128xf32>, vector<128x128xf32>, vector<5008x128xf32> -> vector<5008x128xf32>
    %slice3A = vector.extract_strided_slice %select_n3A {offsets = [0], sizes = [5008], strides = [1]} : vector<12032xf32> to vector<5008xf32>
    %broadcast_in_dim3A_19 = vector.shape_cast %slice3A : vector<5008xf32> to vector<5008x1xf32>
    %mul3A = vector.broadcast %broadcast_in_dim3A_19 : vector<5008x1xf32> to vector<5008x128xf32>
    %mul3A_20 = arith.mulf %dot_general3A_18, %mul3A : vector<5008x128xf32>
    %swap3A_21 = arith.constant 0 : index
    %swap3A_22 = arith.constant 0 : index
    %swap3A_23 = vector.load %arg3[%swap3A_21, %swap3A_22] : memref<5008x128xf32, #tpu.memory_space<vmem>>, vector<5008x128xf32>
    tpu.vector_store %arg3[%swap3A_21, %swap3A_22], %mul3A_20 {strides = array<i32>} : memref<5008x128xf32, #tpu.memory_space<vmem>>, vector<5008x128xf32>,
    return
  }
}

module attributes {stable_mosaic.version = 14 : i64} {
  func.func @_fin2_body(%arg0: memref<2048x128xf32, #tpu.memory_space<vmem>>, %arg1: memref<1024xf32, #tpu.memory_space<vmem>>, %arg2: memref<128xf32, #tpu.memory_space<vmem>>, %arg3: memref<1024xf32, #tpu.memory_space<vmem>>, %arg4: memref<128x128xf32, #tpu.memory_space<vmem>>, %arg5: memref<2048x1024xf32, #tpu.memory_space<vmem>>, %arg6: memref<1024xf32, #tpu.memory_space<vmem>>, %arg7: memref<128xf32, #tpu.memory_space<vmem>>, %arg8: memref<1024x128xf32, #tpu.memory_space<vmem>>) attributes {dimension_semantics = [], scalar_prefetch = 0 : i64, scratch_operands = 0 : i64, tpu.core_type = #tpu.core_type<tc>} {
    %get3A = arith.constant 0 : index
    %get3A_0 = arith.constant 0 : index
    %get3A_1 = vector.load %arg0[%get3A, %get3A_0] : memref<2048x128xf32, #tpu.memory_space<vmem>>, vector<1024x128xf32>
    %get3A_2 = arith.constant 1024 : index
    %get3A_3 = arith.constant 0 : index
    %get3A_4 = vector.load %arg0[%get3A_2, %get3A_3] : memref<2048x128xf32, #tpu.memory_space<vmem>>, vector<1024x128xf32>
    %add3A = arith.addf %get3A_1, %get3A_4 : vector<1024x128xf32>
    %get3A_5 = arith.constant 0 : index
    %get3A_6 = vector.load %arg1[%get3A_5] : memref<1024xf32, #tpu.memory_space<vmem>>, vector<1024xf32>
    %broadcast_in_dim3A = vector.shape_cast %get3A_6 : vector<1024xf32> to vector<1024x1xf32>
    %mul3A = vector.broadcast %broadcast_in_dim3A : vector<1024x1xf32> to vector<1024x128xf32>
    %mul3A_7 = arith.mulf %add3A, %mul3A : vector<1024x128xf32>
    %get3A_8 = arith.constant 0 : index
    %get3A_9 = vector.load %arg2[%get3A_8] : memref<128xf32, #tpu.memory_space<vmem>>, vector<128xf32>
    %broadcast_in_dim3A_10 = vector.shape_cast %get3A_9 : vector<128xf32> to vector<1x128xf32>
    %add3A_11 = vector.broadcast %broadcast_in_dim3A_10 : vector<1x128xf32> to vector<1024x128xf32>
    %add3A_12 = arith.addf %mul3A_7, %add3A_11 : vector<1024x128xf32>
    %max3A = arith.constant 0.000000e+00 : f32
    %max3A_13 = vector.broadcast %max3A : f32 to vector<1024x128xf32>
    %max3A_14 = arith.maximumf %add3A_12, %max3A_13 : vector<1024x128xf32>
    %iota3A = tpu.iota {dimensions = array<i32: 0>} : vector<1024x1xi32>
    %lt3A = arith.constant 1000 : i32
    %lt3A_15 = vector.broadcast %lt3A : i32 to vector<1024x1xi32>
    %lt3A_16 = arith.cmpi slt, %iota3A, %lt3A_15 : vector<1024x1xi32>
    %get3A_17 = arith.constant 0 : index
    %get3A_18 = vector.load %arg3[%get3A_17] : memref<1024xf32, #tpu.memory_space<vmem>>, vector<1024xf32>
    %broadcast_in_dim3A_19 = vector.shape_cast %get3A_18 : vector<1024xf32> to vector<1024x1xf32>
    %mul3A_20 = vector.broadcast %broadcast_in_dim3A_19 : vector<1024x1xf32> to vector<1024x128xf32>
    %mul3A_21 = arith.mulf %max3A_14, %mul3A_20 : vector<1024x128xf32>
    %jit3A = arith.constant 0.000000e+00 : f32
    %broadcast_in_dim3A_22 = vector.shape_cast %lt3A_16 : vector<1024x1xi1> to vector<1024x1xi1>
    %broadcast_in_dim3A_23 = vector.broadcast %broadcast_in_dim3A_22 : vector<1024x1xi1> to vector<1024x128xi1>
    %broadcast_in_dim3A_24 = vector.broadcast %jit3A : f32 to vector<1024x128xf32>
    %select_n3A = arith.select %broadcast_in_dim3A_23, %mul3A_21, %broadcast_in_dim3A_24 : vector<1024x128xi1>, vector<1024x128xf32>
    %get3A_25 = arith.constant 0 : index
    %get3A_26 = arith.constant 0 : index
    %get3A_27 = vector.load %arg4[%get3A_25, %get3A_26] : memref<128x128xf32, #tpu.memory_space<vmem>>, vector<128x128xf32>
    %dot_general3A = arith.constant dense<0.000000e+00> : vector<1024x128xf32>
    %dot_general3A_28 = tpu.matmul %select_n3A, %get3A_27, %dot_general3A {dimension_numbers = #tpu.dot_dimension_numbers<[1], [0], [0], [1], [0, 0, 1, 1], [], []>, transpose_lhs_hint = false} : vector<1024x128xf32>, vector<128x128xf32>, vector<1024x128xf32> -> vector<1024x128xf32>
    %get3A_29 = arith.constant 0 : index
    %get3A_30 = arith.constant 0 : index
    %get3A_31 = vector.load %arg5[%get3A_29, %get3A_30] : memref<2048x1024xf32, #tpu.memory_space<vmem>>, vector<1024x1024xf32>
    %get3A_32 = arith.constant 1024 : index
    %get3A_33 = arith.constant 0 : index
    %get3A_34 = vector.load %arg5[%get3A_32, %get3A_33] : memref<2048x1024xf32, #tpu.memory_space<vmem>>, vector<1024x1024xf32>
    %add3A_35 = arith.addf %get3A_31, %get3A_34 : vector<1024x1024xf32>
    %dot_general3A_36 = arith.constant dense<0.000000e+00> : vector<1024x128xf32>
    %dot_general3A_37 = tpu.matmul %add3A_35, %dot_general3A_28, %dot_general3A_36 {dimension_numbers = #tpu.dot_dimension_numbers<[1], [0], [0], [1], [0, 0, 1, 1], [], []>, transpose_lhs_hint = false} : vector<1024x1024xf32>, vector<1024x128xf32>, vector<1024x128xf32> -> vector<1024x128xf32>
    %get3A_38 = arith.constant 0 : index
    %get3A_39 = vector.load %arg6[%get3A_38] : memref<1024xf32, #tpu.memory_space<vmem>>, vector<1024xf32>
    %broadcast_in_dim3A_40 = vector.shape_cast %get3A_39 : vector<1024xf32> to vector<1024x1xf32>
    %mul3A_41 = vector.broadcast %broadcast_in_dim3A_40 : vector<1024x1xf32> to vector<1024x128xf32>
    %mul3A_42 = arith.mulf %dot_general3A_37, %mul3A_41 : vector<1024x128xf32>
    %get3A_43 = arith.constant 0 : index
    %get3A_44 = vector.load %arg7[%get3A_43] : memref<128xf32, #tpu.memory_space<vmem>>, vector<128xf32>
    %broadcast_in_dim3A_45 = vector.shape_cast %get3A_44 : vector<128xf32> to vector<1x128xf32>
    %add3A_46 = vector.broadcast %broadcast_in_dim3A_45 : vector<1x128xf32> to vector<1024x128xf32>
    %add3A_47 = arith.addf %mul3A_42, %add3A_46 : vector<1024x128xf32>
    %swap3A = arith.constant 0 : index
    %swap3A_48 = arith.constant 0 : index
    %swap3A_49 = vector.load %arg8[%swap3A, %swap3A_48] : memref<1024x128xf32, #tpu.memory_space<vmem>>, vector<1024x128xf32>
    tpu.vector_store %arg8[%swap3A, %swap3A_48], %add3A_47 {strides = array<i32>} : memref<1024x128xf32, #tpu.memory_space<vmem>>, vector<1024x128xf32>,
    return
  }
}

</mosaic_0001>

<sc_bundles>
// kernel: kernel.6.cloned.1.call-start
scs
__scs_entry_jumppad:
0x0: {  	(pc) =	sbr.rel $0x88, $3  }
0x1: {  	(tag) =	ssettag $0x0;
	lr =	simm.s32 $0x1  }
0x2: {  	[smem:$0x3F9A] =	sst lr;
	_ =	strace $0xD0000000  }
0x3: {  	_ = 	snop  }
0x4: {  	_ = 	snop  }
0x5: {  	_ = 	snop  }
0x6: {  	_ = 	snop  }
0x7: {  	_ = 	snop  }
__scs_overlays_trampoline_lowered:
0x8: {  	[smem:$0x3FA9] =	sst s0  }
0x9: {  	[smem:$0x3FAA] =	sst s1  }
0xa: {  	[smem:$0x3FAB] =	sst s2  }
0xb: {  	[smem:$0x3FAC] =	sst s3  }
0xc: {  	[smem:$0x3FAD] =	sst s4  }
0xd: {  	[smem:$0x3FAE] =	sst s5  }
0xe: {  	[smem:$0x3FAF] =	sst s6  }
0xf: {  	[smem:$0x3FB0] =	sst s7  }
0x10: {  	[smem:$0x3FB1] =	sst s8  }
0x11: {  	[smem:$0x3FB2] =	sst s9;
	s0 =	simm.s32 @!p0 $0x0  }
0x12: {  	s1 =	sld [smem:$0x3F98];
	s0 =	simm.s32 @p0 $0x1  }
0x13: {  	[smem:$0x3FB3] =	sst s0;
	s0 =	simm.s32 @!p1 $0x0  }
0x14: {  	s2 =	sld [smem:$0x3F97];
	s0 =	simm.s32 @p1 $0x1  }
0x15: {  	[smem:$0x3FB4] =	sst s0;
	s0 =	simm.s32 @!p2 $0x0  }
0x16: {  	s3 =	sld [smem:$0x3FDB];
	s0 =	simm.s32 @p2 $0x1  }
0x17: {  	s4 =	simm.s32 $0x1BF5;
	[smem:$0x3FB6] =	sst s0  }
0x18: {  	s0 =	sld [smem:$0x3F99];
	_ =	swait.ge [sflag:s4], $0x0  }
0x19: {  	s7 =	sld [smem:$0x3F9A]  }
0x1a: {  	s8 =	sadd.s32 $0xFFFFE003, lr  }
0x1b: {  	s9 =	sadd.s32 $0xFFFFFEF7, lr;
	s5 =	simm.s32 $0xFFFFFFFF;
	p2 =	slt.u32 s8, $0xFFFFF086  }
0x1c: {  	p1 =	slt.u32 s9, $0xF7A;
	s5 =	simm.s32 @!p2 $0x0  }
0x1d: {  	s5 =	simm.s32 @p1 $0x1;
	p0 =	seq.s32 s7, s2  }
0x1e: {  	s7 =	smul.u32 @!p0 $0xF7A, s2;
	p2 =	seq.s32 @!p0 s5, $0x0  }
0x1f: {  	s9 =	smul.u32 $0xF7A, s1;
	s8 =	simm.s32 @!p0 $0x1BF5;
	p2 =	por !p2, p0  }
0x20: {  	[sflag:s8] =	ssyncset.s32 @!p0 $0xFFFFF086;
	s6 =	sadd.s32 @!p0 s3, s7;
	s7 =	simm.s32 @!p0 $0x108  }
0x21: {  	s3 =	sadd.s32 s3, s9;
	s6 =	sadd.s32 @!p0 $0x88, s6;
	s7 =	simm.s32 @p2 $0x1082  }
0x22: {  	[simem:s7], [sflag:s8] =	dma.local @!p0 [hbm:s6], $0xF7A  }
0x23: {  	s9 =	sor.u32 $0xD0000000, s2;
	s6 =	simm.s32 $0x108;
	_ =	swait.ge @!p0 [sflag:s8], $0x0  }
0x24: {  	s3 =	sadd.s32 $0x88, s3;
	s6 =	simm.s32 @!p1 $0x1082;
	[sflag:s4] =	ssyncset.s32 $0xFFFFF086  }
0x25: {  	[simem:s6], [sflag:s4] =	dma.local [hbm:s3], $0xF7A  }
0x26: {  	[smem:$0x3F9A] =	sst s1;
	(tag) =	ssettag s2;
	_ =	strace s9  }
0x27: {  	s1 =	sld [smem:$0x3FAA]  }
0x28: {  	s2 =	sld [smem:$0x3FAB]  }
0x29: {  	s4 =	sld [smem:$0x3FAD]  }
0x2a: {  	p0 =	seq.s32 s5, $0x0;
	s5 =	sld [smem:$0x3FAE]  }
0x2b: {  	s6 =	sld [smem:$0x3FAF]  }
0x2c: {  	s7 =	sld [smem:$0x3FB0]  }
0x2d: {  	s3 =	simm.s32 $0x108;
	s8 =	sld [smem:$0x3FB1]  }
0x2e: {  	s3 =	simm.s32 @!p0 $0x1082;
	s9 =	sld [smem:$0x3FB2]  }
0x2f: {  	lr =	sadd.s32 s0, s3;
	s0 =	sld [smem:$0x3FA9]  }
0x30: {  	s3 =	sld [smem:$0x3FAC]  }
0x31: {  	[smem:$0x3FB5] =	sst s10  }
0x32: {  	s10 =	sld [smem:$0x3FB3];
	_ =	sdelay $0x3  }
0x33: {  	p0 =	seq.s32 s10, $0x1;
	s10 =	sld [smem:$0x3FB5];
	_ =	sdelay $0x3  }
0x34: {  	[smem:$0x3FB5] =	sst s10  }
0x35: {  	s10 =	sld [smem:$0x3FB4];
	_ =	sdelay $0x3  }
0x36: {  	p1 =	seq.s32 s10, $0x1;
	s10 =	sld [smem:$0x3FB5];
	_ =	sdelay $0x3  }
0x37: {  	[smem:$0x3FB5] =	sst s10  }
0x38: {  	s10 =	sld [smem:$0x3FB6]  }
0x39: {  	_ = 	snop;
	(pc) =	sbr.ind lr, $3  }
0x3a: {  	_ = 	snop  }
0x3b: {  	_ = 	snop  }
0x3c: {  	p2 =	seq.s32 s10, $0x1;
	s10 =	sld [smem:$0x3FB5]  }
0x3d: {  	_ =	shalt  }
0x3e: {  	_ =	shalt  }
0x3f: {  	_ =	shalt  }
0x40: {  	_ =	shalt  }
0x41: {  	_ =	shalt  }
0x42: {  	_ =	shalt  }
0x43: {  	_ =	shalt  }
0x44: {  	_ =	shalt  }
0x45: {  	_ =	shalt  }
0x46: {  	_ =	shalt  }
0x47: {  	_ =	shalt  }
0x48: {  	_ =	shalt  }
0x49: {  	_ =	shalt  }
0x4a: {  	_ =	shalt  }
0x4b: {  	_ =	shalt  }
0x4c: {  	_ =	shalt  }
0x4d: {  	_ =	shalt  }
0x4e: {  	_ =	shalt  }
0x4f: {  	_ =	shalt  }
0x50: {  	_ =	shalt  }
0x51: {  	_ =	shalt  }
0x52: {  	_ =	shalt  }
0x53: {  	_ =	shalt  }
0x54: {  	_ =	shalt  }
0x55: {  	_ =	shalt  }
0x56: {  	_ =	shalt  }
0x57: {  	_ =	shalt  }
0x58: {  	_ =	shalt  }
0x59: {  	_ =	shalt  }
0x5a: {  	_ =	shalt  }
0x5b: {  	_ =	shalt  }
0x5c: {  	_ =	shalt  }
0x5d: {  	_ =	shalt  }
0x5e: {  	_ =	shalt  }
0x5f: {  	_ =	shalt  }
0x60: {  	_ =	shalt  }
0x61: {  	_ =	shalt  }
0x62: {  	_ =	shalt  }
0x63: {  	_ =	shalt  }
0x64: {  	_ =	shalt  }
0x65: {  	_ =	shalt  }
0x66: {  	_ =	shalt  }
0x67: {  	_ =	shalt  }
0x68: {  	_ =	shalt  }
0x69: {  	_ =	shalt  }
0x6a: {  	_ =	shalt  }
0x6b: {  	_ =	shalt  }
0x6c: {  	_ =	shalt  }
0x6d: {  	_ =	shalt  }
0x6e: {  	_ =	shalt  }
0x6f: {  	_ =	shalt  }
0x70: {  	_ =	shalt  }
0x71: {  	_ =	shalt  }
0x72: {  	_ =	shalt  }
0x73: {  	_ =	shalt  }
0x74: {  	_ =	shalt  }
0x75: {  	_ =	shalt  }
0x76: {  	_ =	shalt  }
0x77: {  	_ =	shalt  }
0x78: {  	_ =	shalt  }
0x79: {  	_ =	shalt  }
0x7a: {  	_ =	shalt  }
0x7b: {  	_ =	shalt  }
0x7c: {  	_ =	shalt  }
0x7d: {  	_ =	shalt  }
0x7e: {  	_ =	shalt  }
0x7f: {  	_ =	shalt  }
0x80: {  	_ =	shalt  }
0x81: {  	_ =	shalt  }
0x82: {  	_ =	shalt  }
0x83: {  	_ =	shalt  }
0x84: {  	_ =	shalt  }
0x85: {  	_ =	shalt  }
0x86: {  	_ =	shalt  }
0x87: {  	_ =	shalt  }
.Lfunc_end0:
.L_simem_size_0:
called_computation_lowered:
.L_overlay_start_0:
0x88: {  	s2 =	sld [smem:$0x3FD9]  }
0x89: {  	s3 =	sld [smem:$0x3FFE];
	_ =	sdelay $0x1  }
0x8a: {  	s1 =	srdreg.scid  }
0x8b: {  	s0 =	sand.u32 $0x1, s1  }
0x8c: {  	s17 =	sshll.u32 s0, $0xA;
	s2 =	sadd.s32 s3, s2  }
0x8d: {  	s2 =	sadd.s32 s2, s17  }
0x8e: {  	[smem:$0x3FC1] =	sst s2  }
0x8f: {  	_ = 	snop  }
0x90: {  	s2 =	sld [smem:$0x3FD0];
	(tm) =	ssettm $0x1  }
0x91: {  	s18 =	sld [smem:$0x3FFB];
	_ =	sdelay $0x3  }
0x92: {  	_ =	strace s18  }
0x93: {  	s3 =	sld [smem:$0x3FFC];
	_ =	sdelay $0x3  }
0x94: {  	_ =	strace s3  }
0x95: {  	s3 =	sld [smem:$0x3FFD];
	_ =	sdelay $0x3  }
0x96: {  	_ =	strace s3  }
0x97: {  	_ =	strace $0x8FFFFFFF  }
0x98: {  	s19 =	sld [smem:$0x3FDB];
	_ =	sdelay $0x1  }
0x99: {  	s4 =	simm.s32 $_scs_section_size  }
0x9a: {  	s5 =	simm.s32 $_size__tile_overlayer_lowered;
	s6 =	simm.s32 $_tile_overlayer_lowered  }
0x9b: {  	s22 =	simm.s32 $0x1BFF;
	s21 =	sshll.u32 s6, $0x1;
	s3 =	sadd.s32 s4, s19  }
0x9c: {  	s7 =	simm.s32 $0x0;
	s20 =	sshll.u32 s5, $0x1;
	s5 =	sadd.s32 s21, s3  }
0x9d: {  	[timem:s7], [sflag:s22] =	dma.local [hbm:s5], s20  }
0x9e: {  	_ =	swait.ge [sflag:s22], s20  }
0x9f: {  	s4 =	ssub.s32 $0x0, s20;
	[sflag:s22] =	ssyncset.done $0x0  }
0xa0: {  	[sflag:s22] =	ssyncadd.s32 s4;
	_ =	sdelay $0x1  }
0xa1: {  	s23 =	simm.s32 $0x1B8B  }
0xa2: {  	_ =	swait.ge [sflag:s23], $0x1  }
0xa3: {  	[sflag:s23] =	ssyncset.done $0x0  }
0xa4: {  	s25 =	simm.s32 $0x1B8E;
	s24 =	sld [smem:$0x3FFE];
	[sflag:s23] =	ssyncadd.s32 $0xFFFFFFFF  }
0xa5: {  	s26 =	simm.s32 $execute0_lowered;
	[smem:$0x3FD2] =	sst s25  }
0xa6: {  	s5 =	sshll.u32 s26, $0x1;
	_ =	strace $0x80000046;
	[dreg:$0x1] =	wrdreg $0xFFFFFFFF  }
0xa7: {  	s28 =	simm.s32 $_size_execute0_lowered;
	s3 =	sadd.s32 s3, s5;
	[dreg:$0x0] =	wrdreg $0x0  }
0xa8: {  	s5 =	sshll.u32 s28, $0x1;
	[dreg:$0x2] =	wrdreg s3  }
0xa9: {  	[dreg:$0x3] =	wrdreg s5  }
0xaa: {  	[dreg:$0x4] =	wrdreg $0xC0  }
0xab: {  	_ =	task [dreg:s7], $0x5FFFF  }
0xac: {  	[dreg:$0x1] =	wrdreg $0xFFFFFFFF  }
0xad: {  	[dreg:$0x0] =	wrdreg $0x60  }
0xae: {  	[dreg:$0x2] =	wrdreg s24  }
0xaf: {  	[dreg:$0x3] =	wrdreg s2  }
0xb0: {  	[dreg:$0x4] =	wrdreg $0xF7800  }
0xb1: {  	[dreg:$0x5] =	wrdreg $0xFA700  }
0xb2: {  	[dreg:$0x6] =	wrdreg $0x9  }
0xb3: {  	_ =	task.clear_ibuf [dreg:s7], $0x7FFFF;
	_ =	strace $0x90000046  }
0xb4: {  	s29 =	simm.s32 $0x9;
	_ =	strace $0x80000048  }
0xb5: {  	_ =	swait.ge [sflag:s29], $0x1  }
0xb6: {  	[sflag:s29] =	ssyncadd.s32 $0xFFFFFFFF  }
0xb7: {  	_ =	strace $0x90000048  }
0xb8: {  	_ =	sfence  }
0xb9: {  	s30 =	sld [smem:$0x0];
	_ =	sdelay $0x2  }
0xba: {  	s31 =	sshll.u32 s1, $0xD;
	s1 =	sshrl.u32 s1, $0x2  }
0xbb: {  	s3 =	sand.u32 $0x4000, s31;
	s1 =	sadd.s32 s1, s30  }
0xbc: {  	s0 =	sor.u32 s3, s0;
	s1 =	sshll.u32 s1, $0x11  }
0xbd: {  	s0 =	sor.u32 s1, s0  }
0xbe: {  	s0 =	sadd.s32 $0x8F2B, s0  }
0xbf: {  	[sflag:s0] =	ssyncadd.remote.s32 $0x1  }
0xc0: {  	_ =	sfence.sel $0xFFFF  }
0xc1: {  	[dreg:$0x0] =	wrdreg $0xFFFFFFFF;
	(pc) =	sbr.abs _section_cstart, $3  }
0xc2: {  	[dreg:$0x1] =	wrdreg $0xFFFFFFFF  }
0xc3: {  	_ =	task.clear_ibuf [dreg:s7], $0x2FFFF;
	_ =	strace $0x9FFFFFFF  }
0xc4: {  	(tm) =	ssettm $0x7FFFFFFF  }
0xc5: {  	_ =	shalt  }
tec
execute0_lowered:
.L_overlay_start_1:
0x0: {  	(tag) =	ssettag $0x1  }
0x1: {  	s5 =	rddreg [dreg:$0x0]  }
0x2: {  	s10 =	rddreg [dreg:$0x1]  }
0x3: {  	s1 =	srdreg.scid;
	s2 =	rddreg [dreg:$0x2]  }
0x4: {  	s0 =	stileid.u32;
	s3 =	rddreg [dreg:$0x3]  }
0x5: {  	s4 =	simm.s32 $0x0;
	s19 =	simm.s32 $0xB400;
	s20 =	simm.s32 $0x1  }
0x6: {  	s21 =	simm.s32 $0xB780;
	s22 =	simm.s32 $0x80;
	s23 =	simm.s32 $0xB700  }
0x7: {  	s24 =	simm.s32 $0x7800;
	s25 =	simm.s32 $0x8C00;
	s26 =	simm.s32 $0x0  }
0x8: {  	s6 =	sand.u32 $0x1, s1;
	s28 =	sshll.u32 s0, $0x1;
	s1 =	rddreg [dreg:$0x4]  }
0x9: {  	[smem:$0x7FF] =	sst s4;
	s9 =	sshll.u32 s0, $0x10;
	s13 =	smul.u32 $0x2F0, s0  }
0xa: {  	s7 =	sor.u32 s6, s28;
	_ =	strace $0x80000047;
	s11 =	sshll.u32 s6, $0x14  }
0xb: {  	s12 =	ssub.s32 $0x2, s6;
	s15 =	smul.u32 $0x2F00, s6;
	s6 =	sadd.s32 s9, s3  }
0xc: {  	s8 =	smul.u32 $0xF00, s7;
	s11 =	sor.u32 s9, s11;
	s14 =	sshrl.u32 s12, $0x1  }
0xd: {  	s7 =	smul.u32 $0x280, s7;
	s11 =	sshrl.u32 s11, $0x3;
	s29 =	ssub.s32 s12, s14  }
0xe: {  	s30 =	sadd.s32 s13, s15;
	s12 =	sadd.s32 $0x4000, s6;
	s14 =	sadd.s32 $0xC000, s6  }
0xf: {  	s8 =	sadd.s32 s8, s5;
	s16 =	sadd.s32 s7, s5;
	s18 =	sadd.s32 s11, s5  }
0x10: {  	s5 =	sadd.s32 s13, s2;
	s31 =	sshrl.u32 s30, $0x3;
	s11 =	smax.u32 s29, $0x1  }
0x11: {  	s13 =	sadd.s32 $0x8000, s6;
	s7 =	sadd.s32 $0x1000, s8;
	s8 =	sadd.s32 $0x1F000, s16  }
0x12: {  	s9 =	sadd.s32 $0x24000, s16;
	s10 =	sadd.s32 s10, s31;
	s15 =	sadd.s32 $0x29000, s18  }
0x13: {  	v0 =	vimm.f32 $0.0e+00;
	v1 =	vimm.f32 $1.000000000e+00;
	s16 =	sadd.s32 $0x29800, s18;
	s17 =	sadd.s32 $0x2A000, s18;
	s18 =	sadd.s32 $0x2A800, s18  }
.LBB2_1:
0x14: {  	[tilespmem:$0xB400] =	vst v0  }
0x15: {  	[tilespmem:$0xB410] =	vst v0  }
0x16: {  	[tilespmem:$0xB420] =	vst v0  }
0x17: {  	[tilespmem:$0xB430] =	vst v0  }
0x18: {  	[tilespmem:$0xB440] =	vst v0  }
0x19: {  	[tilespmem:$0xB450] =	vst v0  }
0x1a: {  	[tilespmem:$0xB460] =	vst v0  }
0x1b: {  	[tilespmem:$0xB470] =	vst v0  }
0x1c: {  	[tilespmem:$0xB480] =	vst v0  }
0x1d: {  	[tilespmem:$0xB490] =	vst v0  }
0x1e: {  	[tilespmem:$0xB4A0] =	vst v0  }
0x1f: {  	[tilespmem:$0xB4B0] =	vst v0  }
0x20: {  	[tilespmem:$0xB4C0] =	vst v0  }
0x21: {  	[tilespmem:$0xB4D0] =	vst v0  }
0x22: {  	[tilespmem:$0xB4E0] =	vst v0  }
0x23: {  	[tilespmem:$0xB4F0] =	vst v0  }
0x24: {  	[tilespmem:$0xB500] =	vst v0  }
0x25: {  	[tilespmem:$0xB510] =	vst v0  }
0x26: {  	[tilespmem:$0xB520] =	vst v0  }
0x27: {  	[tilespmem:$0xB530] =	vst v0  }
0x28: {  	[tilespmem:$0xB540] =	vst v0  }
0x29: {  	[tilespmem:$0xB550] =	vst v0  }
0x2a: {  	[tilespmem:$0xB560] =	vst v0  }
0x2b: {  	[tilespmem:$0xB570] =	vst v0  }
0x2c: {  	[tilespmem:$0xB580] =	vst v0  }
0x2d: {  	[tilespmem:$0xB590] =	vst v0  }
0x2e: {  	[tilespmem:$0xB5A0] =	vst v0  }
0x2f: {  	[tilespmem:$0xB5B0] =	vst v0  }
0x30: {  	[tilespmem:$0xB5C0] =	vst v0  }
0x31: {  	[tilespmem:$0xB5D0] =	vst v0  }
0x32: {  	[tilespmem:$0xB5E0] =	vst v0  }
0x33: {  	[tilespmem:$0xB5F0] =	vst v0  }
0x34: {  	[tilespmem:$0xB600] =	vst v0  }
0x35: {  	[tilespmem:$0xB610] =	vst v0  }
0x36: {  	[tilespmem:$0xB620] =	vst v0  }
0x37: {  	[tilespmem:$0xB630] =	vst v0  }
0x38: {  	[tilespmem:$0xB640] =	vst v0  }
0x39: {  	[tilespmem:$0xB650] =	vst v0  }
0x3a: {  	[tilespmem:$0xB660] =	vst v0  }
0x3b: {  	[tilespmem:$0xB670] =	vst v0  }
0x3c: {  	[tilespmem:$0xB680] =	vst v0  }
0x3d: {  	[tilespmem:$0xB690] =	vst v0  }
0x3e: {  	[tilespmem:$0xB6A0] =	vst v0  }
0x3f: {  	[tilespmem:$0xB6B0] =	vst v0  }
0x40: {  	[tilespmem:$0xB6C0] =	vst v0  }
0x41: {  	[tilespmem:$0xB6D0] =	vst v0  }
0x42: {  	[tilespmem:$0xB6E0] =	vst v0  }
0x43: {  	[tilespmem:$0xB700] =	vst v1  }
0x44: {  	[tilespmem:$0xB710] =	vst v1  }
0x45: {  	[tilespmem:$0xB720] =	vst v1  }
0x46: {  	[tilespmem:$0xB730] =	vst v1  }
0x47: {  	[tilespmem:$0xB740] =	vst v1  }
0x48: {  	[tilespmem:$0xB750] =	vst v1  }
0x49: {  	[tilespmem:$0xB760] =	vst v1  }
0x4a: {  	[tilespmem:$0xB770] =	vst v1;
	s28 =	simm.s32 $0x40;
	s29 =	simm.s32 $0x0  }
.LBB2_2:
0x4b: {  	p0 =	sne.s32 s28, $0xFFC0;
	[tilespmem:s29+$0xB780] =	vst v0;
	s29 =	smov.u32 s28;
	s28 =	sadd.s32 $0x40, s28  }
.Ltmp0:
0x4c: {  	(pc) =	sbr.rel @p0 .LBB2_2-.Ltmp0, $2  }
0x4d: {  	_ =	sdelay $0x2  }
0x4e: {  	s29 =	sshra.s32 s29, $0x2  }
0x4f: {  	[tilespmem:s29+$0xB780] =	vst v0  }
0x50: {  	[spmem:s5] =	stream.linear.scatter [tilespmem:s19], [sflag:$0x1], $0x2F0, $0x38;
	[tilespmem:$0x1FA70] =	vst v63  }
0x51: {  	_ =	swait.ge [sflag:s20], $0x2F0  }
0x52: {  	[sflag:s20] =	ssyncset.done $0x0  }
0x53: {  	[sflag:s20] =	ssyncadd.s32 $0xFFFFFD10  }
0x54: {  	[spmem:s6] =	stream.linear.scatter [tilespmem:s21], [sflag:$0x1], $0x4000, $0x38;
	[tilespmem:$0x1FA70] =	vst v63  }
0x55: {  	_ =	swait.ge [sflag:s20], $0x4000  }
0x56: {  	[sflag:s20] =	ssyncset.done $0x0  }
0x57: {  	[sflag:s20] =	ssyncadd.s32 $0xFFFFC000  }
0x58: {  	[spmem:s12] =	stream.linear.scatter [tilespmem:s21], [sflag:$0x1], $0x4000, $0x38;
	[tilespmem:$0x1FA70] =	vst v63  }
0x59: {  	_ =	swait.ge [sflag:s20], $0x4000  }
0x5a: {  	[sflag:s20] =	ssyncset.done $0x0  }
0x5b: {  	[sflag:s20] =	ssyncadd.s32 $0xFFFFC000  }
0x5c: {  	[spmem:s13] =	stream.linear.scatter [tilespmem:s21], [sflag:$0x1], $0x4000, $0x38;
	[tilespmem:$0x1FA70] =	vst v63  }
0x5d: {  	_ =	swait.ge [sflag:s20], $0x4000  }
0x5e: {  	[sflag:s20] =	ssyncset.done $0x0  }
0x5f: {  	[sflag:s20] =	ssyncadd.s32 $0xFFFFC000  }
0x60: {  	[spmem:s14] =	stream.linear.scatter [tilespmem:s21], [sflag:$0x1], $0x4000, $0x38;
	[tilespmem:$0x1FA70] =	vst v63  }
0x61: {  	_ =	swait.ge [sflag:s20], $0x4000  }
0x62: {  	[sflag:s20] =	ssyncset.done $0x0  }
0x63: {  	[sflag:s20] =	ssyncadd.s32 $0xFFFFC000  }
0x64: {  	s28 =	simm.s32 $0x0;
	[bflag:$0x0] =	sbarrier.arrive $0xFFFF  }
0x65: {  	[tilespmem:s28], [sflag:$0x1] =	stream.linear.gather [hbm4b:s7+s28], $0x7580, $0x38;
	[tilespmem:$0x1FA70] =	vst v63  }
0x66: {  	_ =	swait.ge [sflag:s20], $0x7580  }
0x67: {  	[sflag:s20] =	ssyncset.done $0x0  }
0x68: {  	s28 =	simm.s32 $0x0;
	[sflag:s20] =	ssyncadd.s32 $0xFFFF8A80  }
0x69: {  	[spmem:s2] =	stream.indirect.scatter.add.f32 [tilespmem:s23], [sflag:$0x1], $0x1, s28, s22, $0xb8;
	[tilespmem:$0x1FA70] =	vst v63  }
0x6a: {  	_ =	swait.ge [sflag:s20], $0x80  }
0x6b: {  	s28 =	simm.s32 $0x200;
	[sflag:s20] =	ssyncset.done $0x0  }
.LBB2_4:
0x6c: {  	s29 =	sshra.s32 s28, $0x2;
	[sflag:s20] =	ssyncadd.s32 $0xFFFFFF80;
	p0 =	sne.s32 s28, $0x1D400  }
0x6d: {  	[spmem:s2] =	stream.indirect.scatter.add.f32 [tilespmem:s23], [sflag:$0x1], $0x1, s29, s22, $0xb8;
	[tilespmem:$0x1FA70] =	vst v63  }
.Ltmp1:
0x6e: {  	_ = 	snop;
	(pc) =	sbr.rel @p0 .LBB2_4-.Ltmp1, $4  }
0x6f: {  	_ = 	snop  }
0x70: {  	s28 =	sadd.s32 $0x200, s28  }
0x71: {  	_ =	swait.ge [sflag:s20], $0x80  }
0x72: {  	[sflag:s20] =	ssyncset.done $0x0  }
0x73: {  	[sflag:s20] =	ssyncadd.s32 $0xFFFFFF80;
	s28 =	simm.s32 $0x0  }
0x74: {  	[tilespmem:s24], [sflag:$0x1] =	stream.linear.gather [hbm4b:s8+s28], $0x1400, $0x38;
	[tilespmem:$0x1FA70] =	vst v63  }
0x75: {  	_ =	swait.ge [sflag:s20], $0x1400  }
0x76: {  	[sflag:s20] =	ssyncset.done $0x0  }
0x77: {  	[sflag:s20] =	ssyncadd.s32 $0xFFFFEC00  }
0x78: {  	[tilespmem:s25], [sflag:$0x1] =	stream.linear.gather [hbm4b:s9+s28], $0x1400, $0x38;
	[tilespmem:$0x1FA70] =	vst v63  }
0x79: {  	_ =	swait.ge [sflag:s20], $0x1400  }
0x7a: {  	[sflag:s20] =	ssyncset.done $0x0  }
0x7b: {  	s29 =	simm.s32 $0x0;
	[sflag:s20] =	ssyncadd.s32 $0xFFFFEC00  }
0x7c: {  	v2 =	vld [tilespmem:s29+$0x8C70]  }
0x7d: {  	v3 =	vld [tilespmem:s29+$0x7870]  }
0x7e: {  	v4 =	vld [tilespmem:s29+$0x8C00]  }
0x7f: {  	v5 =	vld [tilespmem:s29+$0x8C10]  }
0x80: {  	v6 =	vld [tilespmem:s29+$0x8C20]  }
0x81: {  	v8 =	vld [tilespmem:s29+$0x8C30]  }
0x82: {  	v11 =	vld [tilespmem:s29+$0x8C40]  }
0x83: {  	v12 =	vld [tilespmem:s29+$0x8C50]  }
0x84: {  	v10 =	vld [tilespmem:s29+$0x7800];
	v2 =	vshll.u32 v2, $0xA  }
0x85: {  	v13 =	vld [tilespmem:s29+$0x7810];
	v2 =	vadd.s32 v3, v2  }
0x86: {  	[tilespmem:s29+$0xA070] =	vst v2;
	v2 =	vld [tilespmem:s29+$0x8C60]  }
0x87: {  	v9 =	vld [tilespmem:s29+$0x7820]  }
0x88: {  	v7 =	vld [tilespmem:s29+$0x7830]  }
0x89: {  	v4 =	vshll.u32 v4, $0xA;
	v14 =	vshll.u32 v5, $0xA;
	v8 =	vshll.u32 v8, $0xA;
	v3 =	vld [tilespmem:s29+$0x7840]  }
0x8a: {  	v5 =	vld [tilespmem:s29+$0x7850];
	v4 =	vadd.s32 v10, v4;
	v10 =	vshll.u32 v6, $0xA;
	v6 =	vshll.u32 v11, $0xA  }
0x8b: {  	s30 =	simm.s32 $0x80;
	s31 =	simm.s32 $0x400;
	s28 =	simm.s32 $0x200;
	v11 =	vld [tilespmem:s29+$0x7860];
	[tilespmem:s29+$0xA000] =	vst v4;
	v4 =	vshll.u32 v12, $0xA;
	v12 =	vadd.s32 v13, v14;
	v2 =	vshll.u32 v2, $0xA  }
.LBB2_6:
0x8c: {  	p0 =	sne.s32 s31, $0x4E00;
	v13 =	vld [tilespmem:s30+$0x8C70];
	[tilespmem:s29+$0xA010] =	vst v12;
	v9 =	vadd.s32 v9, v10  }
0x8d: {  	v10 =	vld [tilespmem:s30+$0x7870];
	[tilespmem:s29+$0xA020] =	vst v9;
	v7 =	vadd.s32 v7, v8  }
0x8e: {  	v8 =	vld [tilespmem:s30+$0x8C00];
	[tilespmem:s29+$0xA030] =	vst v7;
	v3 =	vadd.s32 v3, v6  }
0x8f: {  	v6 =	vld [tilespmem:s30+$0x8C10];
	[tilespmem:s29+$0xA040] =	vst v3;
	v3 =	vadd.s32 v5, v4  }
0x90: {  	v4 =	vld [tilespmem:s30+$0x8C20];
	[tilespmem:s29+$0xA050] =	vst v3;
	v2 =	vadd.s32 v11, v2  }
0x91: {  	v3 =	vld [tilespmem:s30+$0x8C30];
	v5 =	vshll.u32 v13, $0xA;
	[tilespmem:s29+$0xA060] =	vst v2;
	s29 =	smov.u32 s30  }
0x92: {  	v2 =	vld [tilespmem:s29+$0x8C40];
	v5 =	vadd.s32 v10, v5  }
0x93: {  	v11 =	vshll.u32 v8, $0xA;
	v12 =	vld [tilespmem:s29+$0x8C50];
	[tilespmem:s29+$0xA070] =	vst v5  }
0x94: {  	v13 =	vshll.u32 v6, $0xA;
	v5 =	vld [tilespmem:s29+$0x8C60]  }
0x95: {  	v14 =	vld [tilespmem:s29+$0x7800];
	v10 =	vshll.u32 v4, $0xA  }
0x96: {  	v15 =	vld [tilespmem:s29+$0x7810];
	v8 =	vshll.u32 v3, $0xA  }
.Ltmp2:
0x97: {  	v9 =	vld [tilespmem:s29+$0x7820];
	v6 =	vshll.u32 v2, $0xA;
	(pc) =	sbr.rel @p0 .LBB2_6-.Ltmp2, $4  }
0x98: {  	v7 =	vld [tilespmem:s29+$0x7830];
	v4 =	vshll.u32 v12, $0xA  }
0x99: {  	v3 =	vld [tilespmem:s29+$0x7840];
	v2 =	vshll.u32 v5, $0xA  }
0x9a: {  	v11 =	vadd.s32 v14, v11;
	v5 =	vld [tilespmem:s29+$0x7850]  }
0x9b: {  	s30 =	sshra.s32 s31, $0x2;
	s31 =	sadd.s32 $0x200, s31;
	[tilespmem:s29+$0xA000] =	vst v11;
	v12 =	vadd.s32 v15, v13;
	v11 =	vld [tilespmem:s29+$0x7860]  }
0x9c: {  	v13 =	vld [tilespmem:s30+$0x8C70];
	[tilespmem:s29+$0xA010] =	vst v12;
	v9 =	vadd.s32 v9, v10  }
0x9d: {  	v53 =	vld [tilespmem:s30+$0x7870];
	[tilespmem:s29+$0xA020] =	vst v9;
	v7 =	vadd.s32 v7, v8  }
0x9e: {  	v54 =	vld [tilespmem:s30+$0x8C00];
	[tilespmem:s29+$0xA030] =	vst v7;
	v3 =	vadd.s32 v3, v6  }
0x9f: {  	v55 =	vld [tilespmem:s30+$0x8C10];
	[tilespmem:s29+$0xA040] =	vst v3;
	v3 =	vadd.s32 v5, v4  }
0xa0: {  	v56 =	vld [tilespmem:s30+$0x8C20];
	[tilespmem:s29+$0xA050] =	vst v3;
	v2 =	vadd.s32 v11, v2  }
0xa1: {  	v3 =	vld [tilespmem:s30+$0x8C30];
	[tilespmem:s29+$0xA060] =	vst v2  }
0xa2: {  	v57 =	vld [tilespmem:s30+$0x8C40]  }
0xa3: {  	v7 =	vld [tilespmem:s30+$0x8C50]  }
0xa4: {  	v9 =	vld [tilespmem:s30+$0x7800]  }
0xa5: {  	v58 =	vld [tilespmem:s30+$0x7810]  }
0xa6: {  	v59 =	vld [tilespmem:s30+$0x7820]  }
0xa7: {  	v12 =	vld [tilespmem:s30+$0x7830]  }
0xa8: {  	v2 =	vshll.u32 v13, $0xA;
	v60 =	vld [tilespmem:s30+$0x7840]  }
0xa9: {  	v2 =	vadd.s32 v53, v2;
	v61 =	vld [tilespmem:s30+$0x7850];
	v8 =	vshll.u32 v54, $0xA  }
0xaa: {  	[tilespmem:s30+$0xA070] =	vst v2;
	v2 =	vld [tilespmem:s30+$0x8C60];
	v6 =	vshll.u32 v55, $0xA;
	v8 =	vadd.s32 v9, v8  }
0xab: {  	v62 =	vld [tilespmem:s30+$0x7860];
	v4 =	vshll.u32 v56, $0xA;
	v6 =	vadd.s32 v58, v6;
	[tilespmem:s30+$0xA000] =	vst v8  }
0xac: {  	v3 =	vshll.u32 v3, $0xA;
	v4 =	vadd.s32 v59, v4;
	[tilespmem:s30+$0xA010] =	vst v6  }
0xad: {  	v5 =	vshll.u32 v57, $0xA;
	v3 =	vadd.s32 v12, v3;
	[tilespmem:s30+$0xA020] =	vst v4  }
0xae: {  	v63 =	vshll.u32 v7, $0xA;
	[tilespmem:s30+$0xA030] =	vst v3;
	v3 =	vadd.s32 v60, v5  }
0xaf: {  	v2 =	vshll.u32 v2, $0xA;
	[tilespmem:s30+$0xA040] =	vst v3;
	v3 =	vadd.s32 v61, v63  }
0xb0: {  	v2 =	vadd.s32 v62, v2;
	[tilespmem:s30+$0xA050] =	vst v3  }
0xb1: {  	s31 =	simm.s32 $0xA000;
	[tilespmem:s30+$0xA060] =	vst v2  }
0xb2: {  	[spmem:s3] =	stream.indirect.scatter.add.f32 [tilespmem:s23], [sflag:$0x1], $0x1, s31, s22, $0xb8;
	[tilespmem:$0x1FA70] =	vst v63  }
0xb3: {  	_ =	swait.ge [sflag:s20], $0x80  }
.LBB2_8:
0xb4: {  	s29 =	sshra.s32 s28, $0x2;
	[sflag:s20] =	ssyncset.done $0x0;
	p0 =	sne.s32 s28, $0x4E00  }
.Ltmp3:
0xb5: {  	s29 =	sadd.s32 $0xA000, s29;
	[sflag:s20] =	ssyncadd.s32 $0xFFFFFF80;
	(pc) =	sbr.rel @p0 .LBB2_8-.Ltmp3, $3  }
0xb6: {  	[spmem:s3] =	stream.indirect.scatter.add.f32 [tilespmem:s23], [sflag:$0x1], $0x1, s29, s22, $0xb8;
	[tilespmem:$0x1FA70] =	vst v63  }
0xb7: {  	s28 =	sadd.s32 $0x200, s28;
	_ =	sdelay $0x1  }
0xb8: {  	_ =	swait.ge [sflag:s20], $0x80  }
0xb9: {  	[sflag:s20] =	ssyncset.done $0x0  }
0xba: {  	[sflag:s20] =	ssyncadd.s32 $0xFFFFFF80  }
0xbb: {  	[bflag:$0x0] =	sbarrier.arrive $0xFFFF  }
0xbc: {  	[tilespmem:s19], [sflag:$0x1] =	stream.linear.gather [spmem:s5], $0x2F0, $0x38;
	[tilespmem:$0x1FA70] =	vst v63  }
0xbd: {  	_ =	swait.ge [sflag:s20], $0x2F0  }
0xbe: {  	[sflag:s20] =	ssyncset.done $0x0  }
0xbf: {  	[sflag:s20] =	ssyncadd.s32 $0xFFFFFD10  }
0xc0: {  	[hbm4b:s10+s4] =	stream.linear.scatter [tilespmem:s19], [sflag:$0x1], $0x2F0, $0x38;
	[tilespmem:$0x1FA70] =	vst v63  }
0xc1: {  	_ =	swait.ge [sflag:s20], $0x2F0  }
0xc2: {  	[sflag:s20] =	ssyncset.done $0x0  }
0xc3: {  	[sflag:s20] =	ssyncadd.s32 $0xFFFFFD10  }
0xc4: {  	[tilespmem:s21], [sflag:$0x1] =	stream.linear.gather [spmem:s6], $0x4000, $0x38;
	[tilespmem:$0x1FA70] =	vst v63  }
0xc5: {  	_ =	swait.ge [sflag:s20], $0x4000  }
0xc6: {  	[sflag:s20] =	ssyncset.done $0x0  }
0xc7: {  	[sflag:s20] =	ssyncadd.s32 $0xFFFFC000  }
0xc8: {  	[hbm4b:s15+s4] =	stream.linear.scatter [tilespmem:s21], [sflag:$0x1], $0x4000, $0x38;
	[tilespmem:$0x1FA70] =	vst v63  }
0xc9: {  	_ =	swait.ge [sflag:s20], $0x4000  }
0xca: {  	[sflag:s20] =	ssyncset.done $0x0  }
0xcb: {  	[sflag:s20] =	ssyncadd.s32 $0xFFFFC000  }
0xcc: {  	[tilespmem:s21], [sflag:$0x1] =	stream.linear.gather [spmem:s12], $0x4000, $0x38;
	[tilespmem:$0x1FA70] =	vst v63  }
0xcd: {  	_ =	swait.ge [sflag:s20], $0x4000  }
0xce: {  	[sflag:s20] =	ssyncset.done $0x0  }
0xcf: {  	[sflag:s20] =	ssyncadd.s32 $0xFFFFC000  }
0xd0: {  	[hbm4b:s16+s4] =	stream.linear.scatter [tilespmem:s21], [sflag:$0x1], $0x4000, $0x38;
	[tilespmem:$0x1FA70] =	vst v63  }
0xd1: {  	_ =	swait.ge [sflag:s20], $0x4000  }
0xd2: {  	[sflag:s20] =	ssyncset.done $0x0  }
0xd3: {  	[sflag:s20] =	ssyncadd.s32 $0xFFFFC000  }
0xd4: {  	[tilespmem:s21], [sflag:$0x1] =	stream.linear.gather [spmem:s13], $0x4000, $0x38;
	[tilespmem:$0x1FA70] =	vst v63  }
0xd5: {  	_ =	swait.ge [sflag:s20], $0x4000  }
0xd6: {  	[sflag:s20] =	ssyncset.done $0x0  }
0xd7: {  	[sflag:s20] =	ssyncadd.s32 $0xFFFFC000  }
0xd8: {  	[hbm4b:s17+s4] =	stream.linear.scatter [tilespmem:s21], [sflag:$0x1], $0x4000, $0x38;
	[tilespmem:$0x1FA70] =	vst v63  }
0xd9: {  	_ =	swait.ge [sflag:s20], $0x4000  }
0xda: {  	[sflag:s20] =	ssyncset.done $0x0  }
0xdb: {  	[sflag:s20] =	ssyncadd.s32 $0xFFFFC000  }
0xdc: {  	[tilespmem:s21], [sflag:$0x1] =	stream.linear.gather [spmem:s14], $0x4000, $0x38;
	[tilespmem:$0x1FA70] =	vst v63  }
0xdd: {  	s26 =	sadd.s32 $0x1, s26;
	_ =	swait.ge [sflag:s20], $0x4000  }
0xde: {  	p0 =	sne.s32 s26, s11;
	[sflag:s20] =	ssyncset.done $0x0  }
.Ltmp4:
0xdf: {  	[sflag:s20] =	ssyncadd.s32 $0xFFFFC000;
	(pc) =	sbr.rel @p0 .LBB2_1-.Ltmp4, $4  }
0xe0: {  	[hbm4b:s18+s4] =	stream.linear.scatter [tilespmem:s21], [sflag:$0x1], $0x4000, $0x38;
	[tilespmem:$0x1FA70] =	vst v63  }
0xe1: {  	_ =	swait.ge [sflag:s20], $0x4000  }
0xe2: {  	[sflag:s20] =	ssyncset.done $0x0  }
0xe3: {  	[sflag:s20] =	ssyncadd.s32 $0xFFFFC000  }
0xe4: {  	_ =	sfence.sel $0x180000  }
0xe5: {  	[bflag:$0x0] =	sbarrier.arrive $0xFFFF  }
0xe6: {  	p0 =	sne.s32 s0, $0x0;
	_ =	strace $0x90000047  }
0xe7: {  	s0 =	sadd.s32 @!p0 $0x100000, s1;
	[bflag:$0x2] =	sbarrier.arrive $0xFFFF  }
0xe8: {  	[sflag:s0] =	ssyncadd.tile.s32 @!p0 $0x1;
	_ =	shalt  }
.Lfunc_end2:
_tile_overlayer_lowered:
.L_overlay_start_2:
0xe9: {  	(tag) =	ssettag $0x2  }
0xea: {  	s0 =	rddreg [dreg:$0x0];
	s2 =	stileid.u32  }
0xeb: {  	s1 =	rddreg [dreg:$0x1];
	p0 =	sne.s32 s2, $0x0  }
0xec: {  	s3 =	rddreg [dreg:$0x2];
	[bflag:$0x3] =	sbarrier.arrive $0xFFFF;
	s2 =	simm.s32 @!p0 $0x1C01  }
0xed: {  	[timem:s3], [sflag:s2] =	dma.local @!p0 [hbm:s0], s1  }
0xee: {  	s0 =	simm.s32 @!p0 $0x1  }
0xef: {  	_ =	swait.ge @!p0 [sflag:s0], s1  }
0xf0: {  	s1 =	ssub.s32 @!p0 $0x0, s1;
	[sflag:s0] =	ssyncset.done @!p0 $0x0  }
0xf1: {  	[sflag:s0] =	ssyncadd.s32 @!p0 s1  }
0xf2: {  	[bflag:$0x3] =	sbarrier.arrive $0xFFFF  }
0xf3: {  	_ =	shalt  }

// kernel: kernel.9.cloned.1.call-start
scs
__scs_entry_jumppad:
0x0: {  	(pc) =	sbr.rel $0x88, $3  }
0x1: {  	(tag) =	ssettag $0x0;
	lr =	simm.s32 $0x1  }
0x2: {  	[smem:$0x3F9A] =	sst lr;
	_ =	strace $0xD0000000  }
0x3: {  	_ = 	snop  }
0x4: {  	_ = 	snop  }
0x5: {  	_ = 	snop  }
0x6: {  	_ = 	snop  }
0x7: {  	_ = 	snop  }
__scs_overlays_trampoline_lowered:
0x8: {  	[smem:$0x3FA9] =	sst s0  }
0x9: {  	[smem:$0x3FAA] =	sst s1  }
0xa: {  	[smem:$0x3FAB] =	sst s2  }
0xb: {  	[smem:$0x3FAC] =	sst s3  }
0xc: {  	[smem:$0x3FAD] =	sst s4  }
0xd: {  	[smem:$0x3FAE] =	sst s5  }
0xe: {  	[smem:$0x3FAF] =	sst s6  }
0xf: {  	[smem:$0x3FB0] =	sst s7  }
0x10: {  	[smem:$0x3FB1] =	sst s8  }
0x11: {  	[smem:$0x3FB2] =	sst s9;
	s0 =	simm.s32 @!p0 $0x0  }
0x12: {  	s1 =	sld [smem:$0x3F98];
	s0 =	simm.s32 @p0 $0x1  }
0x13: {  	[smem:$0x3FB3] =	sst s0;
	s0 =	simm.s32 @!p1 $0x0  }
0x14: {  	s2 =	sld [smem:$0x3F97];
	s0 =	simm.s32 @p1 $0x1  }
0x15: {  	[smem:$0x3FB4] =	sst s0;
	s0 =	simm.s32 @!p2 $0x0  }
0x16: {  	s3 =	sld [smem:$0x3FDB];
	s0 =	simm.s32 @p2 $0x1  }
0x17: {  	s4 =	simm.s32 $0x1BF5;
	[smem:$0x3FB6] =	sst s0  }
0x18: {  	s0 =	sld [smem:$0x3F99];
	_ =	swait.ge [sflag:s4], $0x0  }
0x19: {  	s7 =	sld [smem:$0x3F9A]  }
0x1a: {  	s8 =	sadd.s32 $0xFFFFE003, lr  }
0x1b: {  	s9 =	sadd.s32 $0xFFFFFEF7, lr;
	s5 =	simm.s32 $0xFFFFFFFF;
	p2 =	slt.u32 s8, $0xFFFFF086  }
0x1c: {  	p1 =	slt.u32 s9, $0xF7A;
	s5 =	simm.s32 @!p2 $0x0  }
0x1d: {  	s5 =	simm.s32 @p1 $0x1;
	p0 =	seq.s32 s7, s2  }
0x1e: {  	s7 =	smul.u32 @!p0 $0xF7A, s2;
	p2 =	seq.s32 @!p0 s5, $0x0  }
0x1f: {  	s9 =	smul.u32 $0xF7A, s1;
	s8 =	simm.s32 @!p0 $0x1BF5;
	p2 =	por !p2, p0  }
0x20: {  	[sflag:s8] =	ssyncset.s32 @!p0 $0xFFFFF086;
	s6 =	sadd.s32 @!p0 s3, s7;
	s7 =	simm.s32 @!p0 $0x108  }
0x21: {  	s3 =	sadd.s32 s3, s9;
	s6 =	sadd.s32 @!p0 $0x88, s6;
	s7 =	simm.s32 @p2 $0x1082  }
0x22: {  	[simem:s7], [sflag:s8] =	dma.local @!p0 [hbm:s6], $0xF7A  }
0x23: {  	s9 =	sor.u32 $0xD0000000, s2;
	s6 =	simm.s32 $0x108;
	_ =	swait.ge @!p0 [sflag:s8], $0x0  }
0x24: {  	s3 =	sadd.s32 $0x88, s3;
	s6 =	simm.s32 @!p1 $0x1082;
	[sflag:s4] =	ssyncset.s32 $0xFFFFF086  }
0x25: {  	[simem:s6], [sflag:s4] =	dma.local [hbm:s3], $0xF7A  }
0x26: {  	[smem:$0x3F9A] =	sst s1;
	(tag) =	ssettag s2;
	_ =	strace s9  }
0x27: {  	s1 =	sld [smem:$0x3FAA]  }
0x28: {  	s2 =	sld [smem:$0x3FAB]  }
0x29: {  	s4 =	sld [smem:$0x3FAD]  }
0x2a: {  	p0 =	seq.s32 s5, $0x0;
	s5 =	sld [smem:$0x3FAE]  }
0x2b: {  	s6 =	sld [smem:$0x3FAF]  }
0x2c: {  	s7 =	sld [smem:$0x3FB0]  }
0x2d: {  	s3 =	simm.s32 $0x108;
	s8 =	sld [smem:$0x3FB1]  }
0x2e: {  	s3 =	simm.s32 @!p0 $0x1082;
	s9 =	sld [smem:$0x3FB2]  }
0x2f: {  	lr =	sadd.s32 s0, s3;
	s0 =	sld [smem:$0x3FA9]  }
0x30: {  	s3 =	sld [smem:$0x3FAC]  }
0x31: {  	[smem:$0x3FB5] =	sst s10  }
0x32: {  	s10 =	sld [smem:$0x3FB3];
	_ =	sdelay $0x3  }
0x33: {  	p0 =	seq.s32 s10, $0x1;
	s10 =	sld [smem:$0x3FB5];
	_ =	sdelay $0x3  }
0x34: {  	[smem:$0x3FB5] =	sst s10  }
0x35: {  	s10 =	sld [smem:$0x3FB4];
	_ =	sdelay $0x3  }
0x36: {  	p1 =	seq.s32 s10, $0x1;
	s10 =	sld [smem:$0x3FB5];
	_ =	sdelay $0x3  }
0x37: {  	[smem:$0x3FB5] =	sst s10  }
0x38: {  	s10 =	sld [smem:$0x3FB6]  }
0x39: {  	_ = 	snop;
	(pc) =	sbr.ind lr, $3  }
0x3a: {  	_ = 	snop  }
0x3b: {  	_ = 	snop  }
0x3c: {  	p2 =	seq.s32 s10, $0x1;
	s10 =	sld [smem:$0x3FB5]  }
0x3d: {  	_ =	shalt  }
0x3e: {  	_ =	shalt  }
0x3f: {  	_ =	shalt  }
0x40: {  	_ =	shalt  }
0x41: {  	_ =	shalt  }
0x42: {  	_ =	shalt  }
0x43: {  	_ =	shalt  }
0x44: {  	_ =	shalt  }
0x45: {  	_ =	shalt  }
0x46: {  	_ =	shalt  }
0x47: {  	_ =	shalt  }
0x48: {  	_ =	shalt  }
0x49: {  	_ =	shalt  }
0x4a: {  	_ =	shalt  }
0x4b: {  	_ =	shalt  }
0x4c: {  	_ =	shalt  }
0x4d: {  	_ =	shalt  }
0x4e: {  	_ =	shalt  }
0x4f: {  	_ =	shalt  }
0x50: {  	_ =	shalt  }
0x51: {  	_ =	shalt  }
0x52: {  	_ =	shalt  }
0x53: {  	_ =	shalt  }
0x54: {  	_ =	shalt  }
0x55: {  	_ =	shalt  }
0x56: {  	_ =	shalt  }
0x57: {  	_ =	shalt  }
0x58: {  	_ =	shalt  }
0x59: {  	_ =	shalt  }
0x5a: {  	_ =	shalt  }
0x5b: {  	_ =	shalt  }
0x5c: {  	_ =	shalt  }
0x5d: {  	_ =	shalt  }
0x5e: {  	_ =	shalt  }
0x5f: {  	_ =	shalt  }
0x60: {  	_ =	shalt  }
0x61: {  	_ =	shalt  }
0x62: {  	_ =	shalt  }
0x63: {  	_ =	shalt  }
0x64: {  	_ =	shalt  }
0x65: {  	_ =	shalt  }
0x66: {  	_ =	shalt  }
0x67: {  	_ =	shalt  }
0x68: {  	_ =	shalt  }
0x69: {  	_ =	shalt  }
0x6a: {  	_ =	shalt  }
0x6b: {  	_ =	shalt  }
0x6c: {  	_ =	shalt  }
0x6d: {  	_ =	shalt  }
0x6e: {  	_ =	shalt  }
0x6f: {  	_ =	shalt  }
0x70: {  	_ =	shalt  }
0x71: {  	_ =	shalt  }
0x72: {  	_ =	shalt  }
0x73: {  	_ =	shalt  }
0x74: {  	_ =	shalt  }
0x75: {  	_ =	shalt  }
0x76: {  	_ =	shalt  }
0x77: {  	_ =	shalt  }
0x78: {  	_ =	shalt  }
0x79: {  	_ =	shalt  }
0x7a: {  	_ =	shalt  }
0x7b: {  	_ =	shalt  }
0x7c: {  	_ =	shalt  }
0x7d: {  	_ =	shalt  }
0x7e: {  	_ =	shalt  }
0x7f: {  	_ =	shalt  }
0x80: {  	_ =	shalt  }
0x81: {  	_ =	shalt  }
0x82: {  	_ =	shalt  }
0x83: {  	_ =	shalt  }
0x84: {  	_ =	shalt  }
0x85: {  	_ =	shalt  }
0x86: {  	_ =	shalt  }
0x87: {  	_ =	shalt  }
.Lfunc_end0:
.L_simem_size_0:
called_computation.1_lowered:
.L_overlay_start_0:
0x88: {  	s2 =	sld [smem:$0x3FD9]  }
0x89: {  	s3 =	sld [smem:$0x3FFE];
	_ =	sdelay $0x1  }
0x8a: {  	s1 =	srdreg.scid  }
0x8b: {  	s0 =	sand.u32 $0x1, s1  }
0x8c: {  	s16 =	sshll.u32 s0, $0xA;
	s2 =	sadd.s32 s3, s2  }
0x8d: {  	s2 =	sadd.s32 s2, s16  }
0x8e: {  	[smem:$0x3FC1] =	sst s2  }
0x8f: {  	_ = 	snop  }
0x90: {  	(tm) =	ssettm $0x1  }
0x91: {  	s17 =	sld [smem:$0x3FFB];
	_ =	sdelay $0x3  }
0x92: {  	_ =	strace s17  }
0x93: {  	s2 =	sld [smem:$0x3FFC];
	_ =	sdelay $0x3  }
0x94: {  	_ =	strace s2  }
0x95: {  	s2 =	sld [smem:$0x3FFD];
	_ =	sdelay $0x3  }
0x96: {  	_ =	strace s2  }
0x97: {  	_ =	strace $0x8FFFFFFF  }
0x98: {  	s18 =	sld [smem:$0x3FDB];
	_ =	sdelay $0x1  }
0x99: {  	s19 =	simm.s32 $_scs_section_size  }
0x9a: {  	s4 =	simm.s32 $_size__tile_overlayer_lowered;
	s5 =	simm.s32 $_tile_overlayer_lowered  }
0x9b: {  	s22 =	simm.s32 $0x1BFF;
	s21 =	sshll.u32 s5, $0x1;
	s2 =	sadd.s32 s19, s18  }
0x9c: {  	s6 =	simm.s32 $0x0;
	s20 =	sshll.u32 s4, $0x1;
	s4 =	sadd.s32 s21, s2  }
0x9d: {  	[timem:s6], [sflag:s22] =	dma.local [hbm:s4], s20  }
0x9e: {  	_ =	swait.ge [sflag:s22], s20  }
0x9f: {  	s3 =	ssub.s32 $0x0, s20;
	[sflag:s22] =	ssyncset.done $0x0  }
0xa0: {  	[sflag:s22] =	ssyncadd.s32 s3;
	_ =	sdelay $0x1  }
0xa1: {  	s23 =	simm.s32 $0x1B8B  }
0xa2: {  	_ =	swait.ge [sflag:s23], $0x1  }
0xa3: {  	[sflag:s23] =	ssyncset.done $0x0  }
0xa4: {  	s25 =	simm.s32 $0x1B8E;
	s24 =	sld [smem:$0x3FFE];
	[sflag:s23] =	ssyncadd.s32 $0xFFFFFFFF  }
0xa5: {  	s26 =	simm.s32 $execute0_lowered;
	[smem:$0x3FD2] =	sst s25  }
0xa6: {  	s4 =	sshll.u32 s26, $0x1;
	_ =	strace $0x80000049;
	[dreg:$0x1] =	wrdreg $0xFFFFFFFF  }
0xa7: {  	s28 =	simm.s32 $_size_execute0_lowered;
	s2 =	sadd.s32 s2, s4;
	[dreg:$0x0] =	wrdreg $0x0  }
0xa8: {  	s4 =	sshll.u32 s28, $0x1;
	[dreg:$0x2] =	wrdreg s2  }
0xa9: {  	[dreg:$0x3] =	wrdreg s4  }
0xaa: {  	[dreg:$0x4] =	wrdreg $0xC0  }
0xab: {  	_ =	task [dreg:s6], $0x5FFFF  }
0xac: {  	[dreg:$0x1] =	wrdreg $0xFFFFFFFF  }
0xad: {  	[dreg:$0x0] =	wrdreg $0x60  }
0xae: {  	[dreg:$0x2] =	wrdreg s24  }
0xaf: {  	[dreg:$0x3] =	wrdreg $0x150000  }
0xb0: {  	[dreg:$0x4] =	wrdreg $0x9  }
0xb1: {  	_ =	task.clear_ibuf [dreg:s6], $0x5FFFF;
	_ =	strace $0x90000049  }
0xb2: {  	s29 =	simm.s32 $0x9;
	_ =	strace $0x8000004B  }
0xb3: {  	_ =	swait.ge [sflag:s29], $0x1  }
0xb4: {  	[sflag:s29] =	ssyncadd.s32 $0xFFFFFFFF  }
0xb5: {  	_ =	strace $0x9000004B  }
0xb6: {  	_ =	sfence  }
0xb7: {  	s30 =	sld [smem:$0x0];
	_ =	sdelay $0x2  }
0xb8: {  	s31 =	sshll.u32 s1, $0xD;
	s1 =	sshrl.u32 s1, $0x2  }
0xb9: {  	s3 =	sand.u32 $0x4000, s31;
	s1 =	sadd.s32 s1, s30  }
0xba: {  	s0 =	sor.u32 s3, s0;
	s1 =	sshll.u32 s1, $0x11  }
0xbb: {  	s0 =	sor.u32 s1, s0  }
0xbc: {  	s0 =	sadd.s32 $0x8F2B, s0  }
0xbd: {  	[sflag:s0] =	ssyncadd.remote.s32 $0x1  }
0xbe: {  	_ =	sfence.sel $0xFFFF  }
0xbf: {  	[dreg:$0x0] =	wrdreg $0xFFFFFFFF;
	(pc) =	sbr.abs _section_cstart, $3  }
0xc0: {  	[dreg:$0x1] =	wrdreg $0xFFFFFFFF  }
0xc1: {  	_ =	task.clear_ibuf [dreg:s6], $0x2FFFF;
	_ =	strace $0x9FFFFFFF  }
0xc2: {  	(tm) =	ssettm $0x7FFFFFFF  }
0xc3: {  	_ =	shalt  }
tec
execute0_lowered:
.L_overlay_start_1:
0x0: {  	(tag) =	ssettag $0x1  }
0x1: {  	s0 =	srdreg.scid;
	s1 =	rddreg [dreg:$0x0]  }
0x2: {  	s9 =	stileid.u32;
	s2 =	rddreg [dreg:$0x1]  }
0x3: {  	s25 =	simm.s32 $0x0;
	s13 =	simm.s32 $0x3;
	s14 =	simm.s32 $0x2800  }
0x4: {  	s15 =	simm.s32 $0x5000;
	s16 =	simm.s32 $0x80;
	s17 =	simm.s32 $0x9000  }
0x5: {  	s18 =	simm.s32 $0x1;
	s19 =	simm.s32 $0x100;
	s20 =	simm.s32 $0xD000  }
0x6: {  	s21 =	simm.s32 $0x2880;
	s22 =	simm.s32 $0x180;
	s23 =	simm.s32 $0x11000  }
0x7: {  	s24 =	simm.s32 $0x2900;
	s28 =	simm.s32 $0x2980;
	s29 =	simm.s32 $0x280  }
0x8: {  	s30 =	simm.s32 $0x0;
	s0 =	sand.u32 $0x1, s0;
	s3 =	sshll.u32 s9, $0x1  }
0x9: {  	[smem:$0x7FF] =	sst s25;
	s5 =	sshll.u32 s9, $0xA;
	s8 =	smul.u32 $0x27200, s9  }
0xa: {  	s10 =	sshll.u32 s9, $0xD;
	s25 =	simm.s32 $0x2;
	s4 =	sor.u32 s0, s3  }
0xb: {  	_ =	strace $0x8000004A;
	s7 =	ssub.s32 $0x2, s0;
	s0 =	sshll.u32 s0, $0xE  }
0xc: {  	s10 =	sadd.s32 s10, s2;
	s4 =	smul.u32 $0x500, s4;
	s26 =	sshrl.u32 s7, $0x1  }
.Ltmp0:
0xd: {  	s31 =	sshrl.u32 s8, $0x2;
	s12 =	ssub.s32 s7, s26;
	(pc) =	sbr.rel .LBB2_1-.Ltmp0, $4  }
0xe: {  	s7 =	sadd.s32 s31, s2;
	s26 =	simm.s32 $0x200;
	s6 =	sadd.s32 s4, s1  }
0xf: {  	s4 =	sadd.s32 $0x1000, s1;
	s1 =	sadd.s32 s5, s1;
	s8 =	sadd.s32 $0x4000, s7  }
0x10: {  	s9 =	sadd.s32 $0x8000, s7;
	s12 =	smax.u32 s12, $0x1;
	s0 =	sadd.s32 s0, s1  }
0x11: {  	v0 =	vimm.f32 $0.0e+00;
	s5 =	sadd.s32 $0x69000, s6;
	s6 =	sadd.s32 $0x73000, s6;
	s11 =	sadd.s32 $0x14A00, s0  }
.LBB2_6:
0x12: {  	_ =	swait.ge [sflag:s18], $0x4000  }
0x13: {  	[sflag:s18] =	ssyncset.done $0x0  }
0x14: {  	[sflag:s18] =	ssyncadd.s32 $0xFFFFC000  }
0x15: {  	[spmem:s2] =	stream.indirect.scatter.add.f32 [tilespmem:s23], [sflag:$0x2], $0x80, s0, s16, $0xb8;
	[tilespmem:$0x1EC80] =	vst v63  }
0x16: {  	_ =	swait.ge [sflag:s25], $0x4000  }
0x17: {  	[sflag:s25] =	ssyncset.done $0x0  }
0x18: {  	[sflag:s25] =	ssyncadd.s32 $0xFFFFC000  }
0x19: {  	_ =	swait.ge [sflag:s25], $0x4000  }
0x1a: {  	[sflag:s25] =	ssyncset.done $0x0  }
0x1b: {  	[sflag:s25] =	ssyncadd.s32 $0xFFFFC000  }
0x1c: {  	_ =	swait.ge [sflag:s25], $0x4000  }
0x1d: {  	[sflag:s25] =	ssyncset.done $0x0  }
0x1e: {  	[sflag:s25] =	ssyncadd.s32 $0xFFFFC000  }
0x1f: {  	[bflag:$0x0] =	sbarrier.arrive $0xFFFF  }
0x20: {  	[tilespmem:s15], [sflag:$0x3] =	stream.linear.gather [spmem:s10], $0x2000, $0x38;
	[tilespmem:$0x1EC80] =	vst v63  }
0x21: {  	s30 =	sadd.s32 $0x1, s30;
	_ =	swait.ge [sflag:s13], $0x2000  }
0x22: {  	p0 =	sne.s32 s30, s12;
	[sflag:s13] =	ssyncset.done $0x0  }
.Ltmp1:
0x23: {  	s31 =	simm.s32 $0x0;
	[sflag:s13] =	ssyncadd.s32 $0xFFFFE000;
	(pc) =	sbr.rel @!p0 .LBB2_7-.Ltmp1, $4  }
0x24: {  	[hbm4b:s11+s31] =	stream.linear.scatter [tilespmem:s15], [sflag:$0x3], $0x2000, $0x38;
	[tilespmem:$0x1EC80] =	vst v63  }
0x25: {  	_ =	swait.ge [sflag:s13], $0x2000  }
0x26: {  	[sflag:s13] =	ssyncset.done $0x0  }
0x27: {  	[sflag:s13] =	ssyncadd.s32 $0xFFFFE000  }
.LBB2_1:
0x28: {  	s1 =	simm.s32 $0x0;
	s31 =	simm.s32 $0x200  }
.LBB2_2:
0x29: {  	p0 =	sne.s32 s31, $0xFE00;
	[tilespmem:s1+$0x5070] =	vst v0  }
0x2a: {  	[tilespmem:s1+$0x5000] =	vst v0  }
0x2b: {  	[tilespmem:s1+$0x5010] =	vst v0  }
.Ltmp2:
0x2c: {  	[tilespmem:s1+$0x5020] =	vst v0;
	(pc) =	sbr.rel @p0 .LBB2_2-.Ltmp2, $4  }
0x2d: {  	[tilespmem:s1+$0x5030] =	vst v0  }
0x2e: {  	[tilespmem:s1+$0x5040] =	vst v0  }
0x2f: {  	[tilespmem:s1+$0x5050] =	vst v0  }
0x30: {  	[tilespmem:s1+$0x5060] =	vst v0;
	s1 =	sshra.s32 s31, $0x2;
	s31 =	sadd.s32 $0x200, s31  }
0x31: {  	[tilespmem:s1+$0x5070] =	vst v0  }
0x32: {  	[tilespmem:s1+$0x5000] =	vst v0  }
0x33: {  	[tilespmem:s1+$0x5010] =	vst v0  }
0x34: {  	[tilespmem:s1+$0x5020] =	vst v0  }
0x35: {  	[tilespmem:s1+$0x5030] =	vst v0  }
0x36: {  	[tilespmem:s1+$0x5040] =	vst v0  }
0x37: {  	[tilespmem:s1+$0x5050] =	vst v0  }
0x38: {  	[tilespmem:s1+$0x5060] =	vst v0;
	s31 =	simm.s32 $0x0  }
0x39: {  	[tilespmem:s31], [sflag:$0x3] =	stream.linear.gather [hbm4b:s5+s31], $0x2800, $0x38;
	[tilespmem:$0x1EC80] =	vst v63  }
0x3a: {  	_ =	swait.ge [sflag:s13], $0x2800  }
0x3b: {  	[sflag:s13] =	ssyncset.done $0x0  }
0x3c: {  	[sflag:s13] =	ssyncadd.s32 $0xFFFFD800  }
0x3d: {  	[tilespmem:s14], [sflag:$0x3] =	stream.linear.gather [hbm4b:s6+s31], $0x2800, $0x38;
	[tilespmem:$0x1EC80] =	vst v63  }
0x3e: {  	_ =	swait.ge [sflag:s13], $0x2800  }
0x3f: {  	[sflag:s13] =	ssyncset.done $0x0  }
0x40: {  	[sflag:s13] =	ssyncadd.s32 $0xFFFFD800  }
0x41: {  	[spmem:s7] =	stream.linear.scatter [tilespmem:s15], [sflag:$0x3], $0x4000, $0x38;
	[tilespmem:$0x1EC80] =	vst v63  }
0x42: {  	_ =	swait.ge [sflag:s13], $0x4000  }
0x43: {  	[sflag:s13] =	ssyncset.done $0x0  }
0x44: {  	[sflag:s13] =	ssyncadd.s32 $0xFFFFC000  }
0x45: {  	[spmem:s8] =	stream.linear.scatter [tilespmem:s15], [sflag:$0x3], $0x4000, $0x38;
	[tilespmem:$0x1EC80] =	vst v63  }
0x46: {  	_ =	swait.ge [sflag:s13], $0x4000  }
0x47: {  	[sflag:s13] =	ssyncset.done $0x0  }
0x48: {  	[sflag:s13] =	ssyncadd.s32 $0xFFFFC000  }
0x49: {  	[spmem:s9] =	stream.linear.scatter [tilespmem:s15], [sflag:$0x3], $0x1C80, $0x38;
	[tilespmem:$0x1EC80] =	vst v63  }
0x4a: {  	_ =	swait.ge [sflag:s13], $0x1C80  }
0x4b: {  	[sflag:s13] =	ssyncset.done $0x0  }
0x4c: {  	[sflag:s13] =	ssyncadd.s32 $0xFFFFE380  }
0x4d: {  	[tilespmem:s15], [sflag:$0x1] =	stream.indirect.gather [hbm4b:s4+s16], $0x80, s31, s16, $0xb8;
	[tilespmem:$0x1EC80] =	vst v63  }
0x4e: {  	_ = 	snop  }
0x4f: {  	[tilespmem:s17], [sflag:$0x1] =	stream.indirect.gather [hbm4b:s4+s16], $0x80, s16, s16, $0xb8;
	[tilespmem:$0x1EC80] =	vst v63  }
0x50: {  	[bflag:$0x0] =	sbarrier.arrive $0xFFFF  }
0x51: {  	_ =	swait.ge [sflag:s18], $0x4000  }
0x52: {  	[sflag:s18] =	ssyncset.done $0x0  }
0x53: {  	[sflag:s18] =	ssyncadd.s32 $0xFFFFC000  }
0x54: {  	[spmem:s2] =	stream.indirect.scatter.add.f32 [tilespmem:s15], [sflag:$0x2], $0x80, s14, s16, $0xb8;
	[tilespmem:$0x1EC80] =	vst v63  }
0x55: {  	_ = 	snop  }
0x56: {  	[tilespmem:s20], [sflag:$0x1] =	stream.indirect.gather [hbm4b:s4+s16], $0x80, s19, s16, $0xb8;
	[tilespmem:$0x1EC80] =	vst v63  }
0x57: {  	_ =	swait.ge [sflag:s18], $0x4000  }
0x58: {  	[sflag:s18] =	ssyncset.done $0x0  }
0x59: {  	[sflag:s18] =	ssyncadd.s32 $0xFFFFC000  }
0x5a: {  	[spmem:s2] =	stream.indirect.scatter.add.f32 [tilespmem:s17], [sflag:$0x2], $0x80, s21, s16, $0xb8;
	[tilespmem:$0x1EC80] =	vst v63  }
0x5b: {  	_ = 	snop  }
0x5c: {  	[tilespmem:s23], [sflag:$0x1] =	stream.indirect.gather [hbm4b:s4+s16], $0x80, s22, s16, $0xb8;
	[tilespmem:$0x1EC80] =	vst v63  }
0x5d: {  	_ =	swait.ge [sflag:s18], $0x4000  }
0x5e: {  	[sflag:s18] =	ssyncset.done $0x0  }
0x5f: {  	[sflag:s18] =	ssyncadd.s32 $0xFFFFC000  }
0x60: {  	[spmem:s2] =	stream.indirect.scatter.add.f32 [tilespmem:s20], [sflag:$0x2], $0x80, s24, s16, $0xb8;
	[tilespmem:$0x1EC80] =	vst v63  }
0x61: {  	_ =	swait.ge [sflag:s25], $0x4000  }
0x62: {  	[sflag:s25] =	ssyncset.done $0x0  }
0x63: {  	[sflag:s25] =	ssyncadd.s32 $0xFFFFC000  }
0x64: {  	[tilespmem:s15], [sflag:$0x1] =	stream.indirect.gather [hbm4b:s4+s16], $0x80, s26, s16, $0xb8;
	[tilespmem:$0x1EC80] =	vst v63  }
0x65: {  	_ =	swait.ge [sflag:s18], $0x4000  }
0x66: {  	[sflag:s18] =	ssyncset.done $0x0  }
0x67: {  	[sflag:s18] =	ssyncadd.s32 $0xFFFFC000  }
0x68: {  	[spmem:s2] =	stream.indirect.scatter.add.f32 [tilespmem:s23], [sflag:$0x2], $0x80, s28, s16, $0xb8;
	[tilespmem:$0x1EC80] =	vst v63  }
0x69: {  	_ =	swait.ge [sflag:s25], $0x4000  }
0x6a: {  	[sflag:s25] =	ssyncset.done $0x0  }
0x6b: {  	[sflag:s25] =	ssyncadd.s32 $0xFFFFC000  }
0x6c: {  	[tilespmem:s17], [sflag:$0x1] =	stream.indirect.gather [hbm4b:s4+s16], $0x80, s29, s16, $0xb8;
	[tilespmem:$0x1EC80] =	vst v63  }
.LBB2_4:
0x6d: {  	_ =	swait.ge [sflag:s18], $0x4000  }
0x6e: {  	s1 =	sshra.s32 s31, $0x2;
	[sflag:s18] =	ssyncset.done $0x0  }
0x6f: {  	s0 =	sadd.s32 $0x2A00, s1;
	[sflag:s18] =	ssyncadd.s32 $0xFFFFC000  }
0x70: {  	[spmem:s2] =	stream.indirect.scatter.add.f32 [tilespmem:s15], [sflag:$0x2], $0x80, s0, s16, $0xb8;
	[tilespmem:$0x1EC80] =	vst v63  }
0x71: {  	_ =	swait.ge [sflag:s25], $0x4000  }
0x72: {  	[sflag:s25] =	ssyncset.done $0x0  }
0x73: {  	s3 =	sadd.s32 $0x300, s1;
	[sflag:s25] =	ssyncadd.s32 $0xFFFFC000  }
0x74: {  	[tilespmem:s20], [sflag:$0x1] =	stream.indirect.gather [hbm4b:s4+s16], $0x80, s3, s16, $0xb8;
	[tilespmem:$0x1EC80] =	vst v63  }
0x75: {  	_ =	swait.ge [sflag:s18], $0x4000  }
0x76: {  	[sflag:s18] =	ssyncset.done $0x0  }
0x77: {  	s3 =	sadd.s32 $0x2A80, s1;
	[sflag:s18] =	ssyncadd.s32 $0xFFFFC000  }
0x78: {  	[spmem:s2] =	stream.indirect.scatter.add.f32 [tilespmem:s17], [sflag:$0x2], $0x80, s3, s16, $0xb8;
	[tilespmem:$0x1EC80] =	vst v63  }
0x79: {  	_ =	swait.ge [sflag:s25], $0x4000  }
0x7a: {  	[sflag:s25] =	ssyncset.done $0x0  }
0x7b: {  	s3 =	sadd.s32 $0x380, s1;
	[sflag:s25] =	ssyncadd.s32 $0xFFFFC000  }
0x7c: {  	[tilespmem:s23], [sflag:$0x1] =	stream.indirect.gather [hbm4b:s4+s16], $0x80, s3, s16, $0xb8;
	[tilespmem:$0x1EC80] =	vst v63  }
0x7d: {  	_ =	swait.ge [sflag:s18], $0x4000  }
0x7e: {  	p0 =	seq.s32 s31, $0x9000;
	[sflag:s18] =	ssyncset.done $0x0  }
.Ltmp3:
0x7f: {  	s3 =	sadd.s32 $0x2B00, s1;
	[sflag:s18] =	ssyncadd.s32 $0xFFFFC000;
	(pc) =	sbr.rel @p0 .LBB2_6-.Ltmp3, $4  }
0x80: {  	[spmem:s2] =	stream.indirect.scatter.add.f32 [tilespmem:s20], [sflag:$0x2], $0x80, s3, s16, $0xb8;
	[tilespmem:$0x1EC80] =	vst v63  }
0x81: {  	_ =	swait.ge [sflag:s25], $0x4000  }
0x82: {  	[sflag:s25] =	ssyncset.done $0x0  }
0x83: {  	s0 =	sadd.s32 $0x2B80, s1;
	[sflag:s25] =	ssyncadd.s32 $0xFFFFC000  }
0x84: {  	s3 =	sadd.s32 $0x400, s1  }
0x85: {  	[tilespmem:s15], [sflag:$0x1] =	stream.indirect.gather [hbm4b:s4+s16], $0x80, s3, s16, $0xb8;
	[tilespmem:$0x1EC80] =	vst v63  }
0x86: {  	_ =	swait.ge [sflag:s18], $0x4000  }
0x87: {  	[sflag:s18] =	ssyncset.done $0x0  }
0x88: {  	[sflag:s18] =	ssyncadd.s32 $0xFFFFC000  }
0x89: {  	[spmem:s2] =	stream.indirect.scatter.add.f32 [tilespmem:s23], [sflag:$0x2], $0x80, s0, s16, $0xb8;
	[tilespmem:$0x1EC80] =	vst v63  }
.Ltmp4:
0x8a: {  	_ = 	snop;
	(pc) =	sbr.rel .LBB2_4-.Ltmp4, $4  }
0x8b: {  	_ =	swait.ge [sflag:s25], $0x4000  }
0x8c: {  	[sflag:s25] =	ssyncset.done $0x0  }
0x8d: {  	s31 =	sadd.s32 $0x800, s31;
	s3 =	sadd.s32 $0x480, s1;
	[sflag:s25] =	ssyncadd.s32 $0xFFFFC000  }
0x8e: {  	[tilespmem:s17], [sflag:$0x1] =	stream.indirect.gather [hbm4b:s4+s16], $0x80, s3, s16, $0xb8;
	[tilespmem:$0x1EC80] =	vst v63  }
.LBB2_7:
0x8f: {  	_ =	sfence.sel $0x180000  }
0x90: {  	[bflag:$0x0] =	sbarrier.arrive $0xFFFF  }
0x91: {  	_ =	strace $0x9000004A  }
0x92: {  	s0 =	stileid.u32;
	[bflag:$0x2] =	sbarrier.arrive $0xFFFF  }
0x93: {  	p0 =	sne.s32 s0, $0x0;
	s0 =	rddreg [dreg:$0x2]  }
0x94: {  	s0 =	sadd.s32 @!p0 $0x100000, s0  }
0x95: {  	[sflag:s0] =	ssyncadd.tile.s32 @!p0 $0x1;
	_ =	shalt  }
.Lfunc_end2:
_tile_overlayer_lowered:
.L_overlay_start_2:
0x96: {  	(tag) =	ssettag $0x2  }
0x97: {  	s0 =	rddreg [dreg:$0x0];
	s2 =	stileid.u32  }
0x98: {  	s1 =	rddreg [dreg:$0x1];
	p0 =	sne.s32 s2, $0x0  }
0x99: {  	s3 =	rddreg [dreg:$0x2];
	[bflag:$0x3] =	sbarrier.arrive $0xFFFF;
	s2 =	simm.s32 @!p0 $0x1C03  }
0x9a: {  	[timem:s3], [sflag:s2] =	dma.local @!p0 [hbm:s0], s1  }
0x9b: {  	s0 =	simm.s32 @!p0 $0x3  }
0x9c: {  	_ =	swait.ge @!p0 [sflag:s0], s1  }
0x9d: {  	s1 =	ssub.s32 @!p0 $0x0, s1;
	[sflag:s0] =	ssyncset.done @!p0 $0x0  }
0x9e: {  	[sflag:s0] =	ssyncadd.s32 @!p0 s1  }
0x9f: {  	[bflag:$0x3] =	sbarrier.arrive $0xFFFF  }
0xa0: {  	_ =	shalt  }

</sc_bundles>
